<compile_context>
chip_gen: v7x
topology: tpu7x:2x2x1
jax: 0.10.2.dev20260603
libtpu: 0.0.44.dev20260713+nightly
codegen_flags: <defaults>
</compile_context>

<pallas_src>
import functools

import jax
import jax.numpy as jnp
from jax import lax
from jax.experimental import pallas as pl
from jax.experimental.pallas import tpu as pltpu
from jax.experimental.pallas import tpu_sc as plsc

N_NODES_K = 10000
DIM = 128
R_PAD = 10240
CH = 128
NCH = 80
CHUNK = 16
NW = 32
E_PAD = NW * NCH * CH
EROWS = E_PAD // CH
ROWS_PER_TILE = R_PAD // 16


def _project_tc(x, WpT, b_proj):
    M = x.shape[0]
    BM = 1000

    def body(x_ref, w_ref, b_ref, o_ref):
        o_ref[...] = jnp.maximum(
            jnp.dot(x_ref[...], w_ref[...], preferred_element_type=jnp.float32)
            + b_ref[...], 0.0)

    return pl.pallas_call(
        body,
        grid=(M // BM,),
        in_specs=[
            pl.BlockSpec((BM, DIM), lambda i: (i, 0)),
            pl.BlockSpec((DIM, DIM), lambda i: (0, 0)),
            pl.BlockSpec((1, DIM), lambda i: (0, 0)),
        ],
        out_specs=pl.BlockSpec((BM, DIM), lambda i: (i, 0)),
        out_shape=jax.ShapeDtypeStruct((M, DIM), jnp.float32),
    )(x, WpT, b_proj.reshape(1, DIM))


def _sc_aggregate(xp, src2, dst2):
    mesh = plsc.VectorSubcoreMesh(core_axis_name="c", subcore_axis_name="s")

    @functools.partial(
        pl.kernel,
        mesh=mesh,
        out_type=(
            jax.ShapeDtypeStruct((2 * R_PAD, DIM), jnp.float32),
            jax.ShapeDtypeStruct((2 * R_PAD, DIM), jnp.float32),
        ),
        scratch_types=[
            pltpu.VMEM((CHUNK,), jnp.int32),
            pltpu.VMEM((CHUNK, CH), jnp.int32),
            pltpu.VMEM((CHUNK, CH), jnp.int32),
            pltpu.VMEM((CH, DIM), jnp.float32),
            pltpu.VMEM_SHARED((R_PAD, DIM), jnp.float32),
            pltpu.SemaphoreType.DMA,
        ],
    )
    def k(xp_hbm, src_hbm, dst_hbm, acc_out, cnt_out,
          ridx, sidx, didx, rows, acc_sh, sem):
        cid = lax.axis_index("c")
        sid = lax.axis_index("s")
        wid = sid * 2 + cid
        iota16 = lax.iota(jnp.int32, 16)
        row0 = sid * ROWS_PER_TILE

        def fill(v):
            v16 = jnp.full((16,), v, jnp.float32)

            def body(i, _):
                for t in range(DIM // 16):
                    rows[i, pl.ds(t * 16, 16)] = v16
                return 0

            lax.fori_loop(0, CH, body, 0)

        def zinit(t, _):
            pltpu.sync_copy(rows, acc_sh.at[pl.ds(row0 + t * CH, CH)])
            return 0

        def drain(out):
            def body(t, _):
                r = row0 + t * CH
                pltpu.sync_copy(acc_sh.at[pl.ds(r, CH)], rows)
                pltpu.sync_copy(rows, out.at[pl.ds(cid * R_PAD + r, CH)])
                return 0

            lax.fori_loop(0, ROWS_PER_TILE // CH, body, 0)

        fill(0.0)
        lax.fori_loop(0, ROWS_PER_TILE // CH, zinit, 0)
        plsc.subcore_barrier()

        def chunk1(c, _):
            ridx[pl.ds(0, CHUNK)] = iota16 + wid * NCH + c * CHUNK
            pltpu.async_copy(src_hbm.at[ridx], sidx, sem).wait()
            pltpu.async_copy(dst_hbm.at[ridx], didx, sem).wait()

            def step(j, _):
                pltpu.async_copy(xp_hbm.at[sidx.at[j]], rows, sem).wait()
                pltpu.sync_copy(rows, acc_sh.at[didx.at[j]], add=True)
                return 0

            lax.fori_loop(0, CHUNK, step, 0)
            return 0

        lax.fori_loop(0, NCH // CHUNK, chunk1, 0)
        plsc.subcore_barrier()
        drain(acc_out)

        fill(0.0)
        lax.fori_loop(0, ROWS_PER_TILE // CH, zinit, 0)
        fill(1.0)
        plsc.subcore_barrier()

        def chunk2(c, _):
            ridx[pl.ds(0, CHUNK)] = iota16 + wid * NCH + c * CHUNK
            pltpu.async_copy(dst_hbm.at[ridx], didx, sem).wait()

            def step(j, _):
                pltpu.sync_copy(rows, acc_sh.at[didx.at[j]], add=True)
                return 0

            lax.fori_loop(0, CHUNK, step, 0)
            return 0

        lax.fori_loop(0, NCH // CHUNK, chunk2, 0)
        plsc.subcore_barrier()
        drain(cnt_out)

    return k(xp, src2, dst2)


def _finalize_tc(xpad, acc2, cnt2, WlT, WrT, b_l):
    BM = 1280

    def body(x_ref, a_ref, c_ref, wl_ref, wr_ref, b_ref, o_ref):
        acc = a_ref[0] + a_ref[1]
        cnt = c_ref[0, :, 0:1] + c_ref[1, :, 0:1]
        mean = acc / jnp.maximum(cnt, 1.0)
        out = (jnp.dot(mean, wl_ref[...], preferred_element_type=jnp.float32)
               + jnp.dot(x_ref[...], wr_ref[...], preferred_element_type=jnp.float32)
               + b_ref[...])
        nrm = jnp.sqrt(jnp.sum(out * out, axis=1, keepdims=True))
        out = out / jnp.maximum(nrm, 1e-12)
        o_ref[...] = jnp.where(out > 0, out, jnp.exp(jnp.minimum(out, 0.0)) - 1.0)

    return pl.pallas_call(
        body,
        grid=(R_PAD // BM,),
        in_specs=[
            pl.BlockSpec((BM, DIM), lambda i: (i, 0)),
            pl.BlockSpec((2, BM, DIM), lambda i: (0, i, 0)),
            pl.BlockSpec((2, BM, DIM), lambda i: (0, i, 0)),
            pl.BlockSpec((DIM, DIM), lambda i: (0, 0)),
            pl.BlockSpec((DIM, DIM), lambda i: (0, 0)),
            pl.BlockSpec((1, DIM), lambda i: (0, 0)),
        ],
        out_specs=pl.BlockSpec((BM, DIM), lambda i: (i, 0)),
        out_shape=jax.ShapeDtypeStruct((R_PAD, DIM), jnp.float32),
    )(xpad, acc2, cnt2, WlT, WrT, b_l.reshape(1, DIM))


@jax.jit
def kernel(x, edge_index, W_proj, b_proj, W_l, b_l, W_r):
    src = edge_index[0].astype(jnp.int32)
    dst = edge_index[1].astype(jnp.int32)
    pad = E_PAD - src.shape[0]
    src2 = jnp.concatenate([src, jnp.zeros((pad,), jnp.int32)]).reshape(-1, CH)
    dst2 = jnp.concatenate(
        [dst, jnp.full((pad,), N_NODES_K, jnp.int32)]).reshape(-1, CH)

    xp = _project_tc(x, W_proj.T, b_proj)
    acc2, cnt2 = _sc_aggregate(xp, src2, dst2)
    acc2 = acc2.reshape(2, R_PAD, DIM)
    cnt2 = cnt2.reshape(2, R_PAD, DIM)

    xpad = jnp.pad(x, ((0, R_PAD - N_NODES_K), (0, 0)))
    out = _finalize_tc(xpad, acc2, cnt2, W_l.T, W_r.T, b_l)
    return out[:N_NODES_K]

# --- scband reference (transcript-rebuilt; emitter-appended) ---
"""Pipeline reference for scband-sageconv-layer-41532333752635 (READ-ONLY COPY).

The authoritative reference and input builder live on the scoring server;
editing this copy changes nothing except your own understanding.
"""

import jax, jax.numpy as jnp
import numpy as np

N_NODES = 10000
N_EDGES = 320000
DIM_IN = 128
DIM_OUT = 128


def setup_inputs(seed: int = 0) -> dict:
    key = jax.random.key(seed)
    ks = jax.random.split(key, 8)
    x = jax.random.normal(ks[0], (N_NODES, DIM_IN), dtype=jnp.float32)
    edge_index = jax.random.randint(ks[1], (2, N_EDGES), 0, N_NODES, dtype=jnp.int64)
    # SAGEConv(project=True): lin = Linear(dim_in, dim_in, bias=True)
    s_proj = 1.0 / np.sqrt(DIM_IN)
    W_proj = jax.random.uniform(ks[2], (DIM_IN, DIM_IN), jnp.float32, -s_proj, s_proj)
    b_proj = jax.random.uniform(ks[3], (DIM_IN,), jnp.float32, -s_proj, s_proj)
    # lin_l: Linear(dim_in, dim_out, bias=True) applied to aggregated messages
    W_l = jax.random.uniform(ks[4], (DIM_OUT, DIM_IN), jnp.float32, -s_proj, s_proj)
    b_l = jax.random.uniform(ks[5], (DIM_OUT,), jnp.float32, -s_proj, s_proj)
    # lin_r: Linear(dim_in, dim_out, bias=False) applied to root (original) features
    W_r = jax.random.uniform(ks[6], (DIM_OUT, DIM_IN), jnp.float32, -s_proj, s_proj)
    return {"x": x, "edge_index": edge_index, "W_proj": W_proj, "b_proj": b_proj,
            "W_l": W_l, "b_l": b_l, "W_r": W_r}


def reference(x, edge_index, W_proj, b_proj, W_l, b_l, W_r):
    # SAGEConv(normalize=True, project=True), mean aggregation, then ELU.
    # Dropout is identity in eval mode.
    xp = jax.nn.relu(x @ W_proj.T + b_proj)  # project
    src = edge_index[0]
    dst = edge_index[1]
    msgs = jnp.take(xp, src, axis=0)  # gather source features
    summed = jax.ops.segment_sum(msgs, dst, num_segments=N_NODES)
    counts = jax.ops.segment_sum(jnp.ones((msgs.shape[0],), dtype=jnp.float32), dst, num_segments=N_NODES)
    mean_aggr = summed / jnp.clip(counts, 1.0)[:, None]
    out = mean_aggr @ W_l.T + b_l + x @ W_r.T  # lin_l(aggr) + lin_r(root)
    # F.normalize(out, p=2, dim=-1)
    norm = jnp.linalg.norm(out, ord=2, axis=-1, keepdims=True)
    out = out / jnp.maximum(norm, 1e-12)
    out = jax.nn.elu(out)
    return out

if __name__ == "__main__":
    import jax
    _d = setup_inputs()
    print(jax.jit(kernel)(*tuple(_d.values())))

</pallas_src>

<mosaic_0001>
#map = affine_map<(d0, d1) -> (0, 0)>
module attributes {stable_mosaic.version = 14 : i64} {
  func.func @k(%arg0: i32, %arg1: i32, %arg2: memref<10000x128xf32, #tpu.memory_space<hbm>>, %arg3: memref<2560x128xi32, #tpu.memory_space<hbm>>, %arg4: memref<2560x128xi32, #tpu.memory_space<hbm>>, %arg5: memref<20480x128xf32, #tpu.memory_space<hbm>>, %arg6: memref<20480x128xf32, #tpu.memory_space<hbm>>, %arg7: memref<16xi32, #tpu.memory_space<vmem>>, %arg8: memref<16x128xi32, #tpu.memory_space<vmem>>, %arg9: memref<16x128xi32, #tpu.memory_space<vmem>>, %arg10: memref<128x128xf32, #tpu.memory_space<vmem>>, %arg11: memref<10240x128xf32, #tpu.memory_space<vmem_shared>>, %arg12: memref<!tpu.dma_semaphore, #tpu.memory_space<semaphore_mem>>) attributes {dimension_semantics = [#tpu.dimension_semantics<core_parallel>, #tpu.dimension_semantics<subcore_parallel>], iteration_bounds = array<i64: 2, 16>, scalar_prefetch = 0 : i64, scratch_operands = 6 : i64, tpu.core_type = #tpu.core_type<sc_vector_subcore>, window_params = [{transform_indices = #map}, {transform_indices = #map}, {transform_indices = #map}, {transform_indices = #map}, {transform_indices = #map}]} {
    %mul3A = arith.constant 2 : i32
    %mul3A_0 = arith.muli %arg1, %mul3A : i32
    %add3A = arith.addi %mul3A_0, %arg0 : i32
    %iota3A = tpu.iota {dimensions = array<i32: 0>} : vector<16xi32>
    %mul3A_1 = arith.constant 640 : i32
    %mul3A_2 = arith.muli %arg1, %mul3A_1 : i32
    %broadcast_in_dim3A = arith.constant 0.000000e+00 : f32
    %broadcast_in_dim3A_3 = vector.broadcast %broadcast_in_dim3A : f32 to vector<16xf32>
    %scan3A = arith.constant 0 : i32
    %scan3A_4 = arith.constant 0 : i32
    %scan3A_5 = arith.constant 128 : i32
    %scan3A_6 = arith.addi %scan3A_4, %scan3A_5 : i32
    %scan3A_7 = arith.constant 1 : i32
    %scan3A_8 = scf.for %scan3A_73 = %scan3A_4 to %scan3A_6 step %scan3A_7 iter_args(%scan3A_74 = %scan3A) -> (i32)  : i32 {
      %swap3A = arith.index_cast %scan3A_73 : i32 to index
      %swap3A_75 = arith.constant 0 : index
      %swap3A_76 = tpu.vector_load %arg10[%swap3A, %swap3A_75] {strides = array<i32>} : memref<128x128xf32, #tpu.memory_space<vmem>>, vector<1x16xf32>,
      %swap3A_77 = vector.shape_cast %swap3A_76 : vector<1x16xf32> to vector<16xf32>
      %swap3A_78 = vector.shape_cast %broadcast_in_dim3A_3 : vector<16xf32> to vector<1x16xf32>
      tpu.vector_store %arg10[%swap3A, %swap3A_75], %swap3A_78 {strides = array<i32>} : memref<128x128xf32, #tpu.memory_space<vmem>>, vector<1x16xf32>,
      %swap3A_79 = arith.index_cast %scan3A_73 : i32 to index
      %swap3A_80 = arith.constant 16 : index
      %swap3A_81 = tpu.vector_load %arg10[%swap3A_79, %swap3A_80] {strides = array<i32>} : memref<128x128xf32, #tpu.memory_space<vmem>>, vector<1x16xf32>,
      %swap3A_82 = vector.shape_cast %swap3A_81 : vector<1x16xf32> to vector<16xf32>
      %swap3A_83 = vector.shape_cast %broadcast_in_dim3A_3 : vector<16xf32> to vector<1x16xf32>
      tpu.vector_store %arg10[%swap3A_79, %swap3A_80], %swap3A_83 {strides = array<i32>} : memref<128x128xf32, #tpu.memory_space<vmem>>, vector<1x16xf32>,
      %swap3A_84 = arith.index_cast %scan3A_73 : i32 to index
      %swap3A_85 = arith.constant 32 : index
      %swap3A_86 = tpu.vector_load %arg10[%swap3A_84, %swap3A_85] {strides = array<i32>} : memref<128x128xf32, #tpu.memory_space<vmem>>, vector<1x16xf32>,
      %swap3A_87 = vector.shape_cast %swap3A_86 : vector<1x16xf32> to vector<16xf32>
      %swap3A_88 = vector.shape_cast %broadcast_in_dim3A_3 : vector<16xf32> to vector<1x16xf32>
      tpu.vector_store %arg10[%swap3A_84, %swap3A_85], %swap3A_88 {strides = array<i32>} : memref<128x128xf32, #tpu.memory_space<vmem>>, vector<1x16xf32>,
      %swap3A_89 = arith.index_cast %scan3A_73 : i32 to index
      %swap3A_90 = arith.constant 48 : index
      %swap3A_91 = tpu.vector_load %arg10[%swap3A_89, %swap3A_90] {strides = array<i32>} : memref<128x128xf32, #tpu.memory_space<vmem>>, vector<1x16xf32>,
      %swap3A_92 = vector.shape_cast %swap3A_91 : vector<1x16xf32> to vector<16xf32>
      %swap3A_93 = vector.shape_cast %broadcast_in_dim3A_3 : vector<16xf32> to vector<1x16xf32>
      tpu.vector_store %arg10[%swap3A_89, %swap3A_90], %swap3A_93 {strides = array<i32>} : memref<128x128xf32, #tpu.memory_space<vmem>>, vector<1x16xf32>,
      %swap3A_94 = arith.index_cast %scan3A_73 : i32 to index
      %swap3A_95 = arith.constant 64 : index
      %swap3A_96 = tpu.vector_load %arg10[%swap3A_94, %swap3A_95] {strides = array<i32>} : memref<128x128xf32, #tpu.memory_space<vmem>>, vector<1x16xf32>,
      %swap3A_97 = vector.shape_cast %swap3A_96 : vector<1x16xf32> to vector<16xf32>
      %swap3A_98 = vector.shape_cast %broadcast_in_dim3A_3 : vector<16xf32> to vector<1x16xf32>
      tpu.vector_store %arg10[%swap3A_94, %swap3A_95], %swap3A_98 {strides = array<i32>} : memref<128x128xf32, #tpu.memory_space<vmem>>, vector<1x16xf32>,
      %swap3A_99 = arith.index_cast %scan3A_73 : i32 to index
      %swap3A_100 = arith.constant 80 : index
      %swap3A_101 = tpu.vector_load %arg10[%swap3A_99, %swap3A_100] {strides = array<i32>} : memref<128x128xf32, #tpu.memory_space<vmem>>, vector<1x16xf32>,
      %swap3A_102 = vector.shape_cast %swap3A_101 : vector<1x16xf32> to vector<16xf32>
      %swap3A_103 = vector.shape_cast %broadcast_in_dim3A_3 : vector<16xf32> to vector<1x16xf32>
      tpu.vector_store %arg10[%swap3A_99, %swap3A_100], %swap3A_103 {strides = array<i32>} : memref<128x128xf32, #tpu.memory_space<vmem>>, vector<1x16xf32>,
      %swap3A_104 = arith.index_cast %scan3A_73 : i32 to index
      %swap3A_105 = arith.constant 96 : index
      %swap3A_106 = tpu.vector_load %arg10[%swap3A_104, %swap3A_105] {strides = array<i32>} : memref<128x128xf32, #tpu.memory_space<vmem>>, vector<1x16xf32>,
      %swap3A_107 = vector.shape_cast %swap3A_106 : vector<1x16xf32> to vector<16xf32>
      %swap3A_108 = vector.shape_cast %broadcast_in_dim3A_3 : vector<16xf32> to vector<1x16xf32>
      tpu.vector_store %arg10[%swap3A_104, %swap3A_105], %swap3A_108 {strides = array<i32>} : memref<128x128xf32, #tpu.memory_space<vmem>>, vector<1x16xf32>,
      %swap3A_109 = arith.index_cast %scan3A_73 : i32 to index
      %swap3A_110 = arith.constant 112 : index
      %swap3A_111 = tpu.vector_load %arg10[%swap3A_109, %swap3A_110] {strides = array<i32>} : memref<128x128xf32, #tpu.memory_space<vmem>>, vector<1x16xf32>,
      %swap3A_112 = vector.shape_cast %swap3A_111 : vector<1x16xf32> to vector<16xf32>
      %swap3A_113 = vector.shape_cast %broadcast_in_dim3A_3 : vector<16xf32> to vector<1x16xf32>
      tpu.vector_store %arg10[%swap3A_109, %swap3A_110], %swap3A_113 {strides = array<i32>} : memref<128x128xf32, #tpu.memory_space<vmem>>, vector<1x16xf32>,
      %scan3A_114 = arith.constant 0 : i32
      scf.yield %scan3A_114 : i32
    }
    %scan3A_9 = arith.constant 128 : i32
    %scan3A_10 = arith.constant 0 : i32
    %scan3A_11 = arith.constant 0 : i32
    %scan3A_12 = arith.constant 5 : i32
    %scan3A_13 = arith.addi %scan3A_11, %scan3A_12 : i32
    %scan3A_14 = arith.constant 1 : i32
    %scan3A_15 = scf.for %scan3A_73 = %scan3A_11 to %scan3A_13 step %scan3A_14 iter_args(%scan3A_74 = %scan3A_10) -> (i32)  : i32 {
      %mul3A_75 = arith.constant 128 : i32
      %mul3A_76 = arith.muli %scan3A_73, %mul3A_75 : i32
      %add3A_77 = arith.addi %mul3A_2, %mul3A_76 : i32
      "tpu.region"() ({
        %run_scoped3A = tpu.sem_alloc : memref<!tpu.dma_semaphore, #tpu.memory_space<semaphore_mem>>
        %dma_start3A = arith.constant 0 : i32
        %dma_start3A_79 = tpu.memref_slice %arg11[%add3A_77, %dma_start3A] : memref<10240x128xf32, #tpu.memory_space<vmem_shared>> -> memref<128x128xf32, #tpu.memory_space<vmem_shared>>
        %dma_start3A_80 = arith.constant 0 : i32
        %dma_start3A_81 = tpu.memref_slice %arg11[%add3A_77, %dma_start3A_80] : memref<10240x128xf32, #tpu.memory_space<vmem_shared>> -> memref<128x128xf32, #tpu.memory_space<vmem_shared>>
        tpu.enqueue_dma source(%arg10 : memref<128x128xf32, #tpu.memory_space<vmem>>) target(%dma_start3A_81 : memref<128x128xf32, #tpu.memory_space<vmem_shared>>) target_semaphore(%run_scoped3A : memref<!tpu.dma_semaphore, #tpu.memory_space<semaphore_mem>>)
        %dma_wait3A = arith.constant 0 : i32
        %dma_wait3A_82 = tpu.memref_slice %arg11[%add3A_77, %dma_wait3A] : memref<10240x128xf32, #tpu.memory_space<vmem_shared>> -> memref<128x128xf32, #tpu.memory_space<vmem_shared>>
        %dma_wait3A_83 = arith.constant 0 : i32
        %dma_wait3A_84 = tpu.memref_slice %arg11[%add3A_77, %dma_wait3A_83] : memref<10240x128xf32, #tpu.memory_space<vmem_shared>> -> memref<128x128xf32, #tpu.memory_space<vmem_shared>>
        tpu.wait_dma2 semaphore(%run_scoped3A : memref<!tpu.dma_semaphore, #tpu.memory_space<semaphore_mem>>) src(%arg10 : memref<128x128xf32, #tpu.memory_space<vmem>>) dst(%dma_wait3A_84 : memref<128x128xf32, #tpu.memory_space<vmem_shared>>)
        tpu.yield
      }) : () -> ()
      %scan3A_78 = arith.constant 0 : i32
      scf.yield %scan3A_78 : i32
    }
    %scan3A_16 = arith.constant 5 : i32
    %barrier3A = arith.constant 0 : index
    tpu.barrier barrier_id(%barrier3A)
    %scan3A_17 = arith.constant 0 : i32
    %scan3A_18 = arith.constant 0 : i32
    %scan3A_19 = arith.constant 5 : i32
    %scan3A_20 = arith.addi %scan3A_18, %scan3A_19 : i32
    %scan3A_21 = arith.constant 1 : i32
    %scan3A_22 = scf.for %scan3A_73 = %scan3A_18 to %scan3A_20 step %scan3A_21 iter_args(%scan3A_74 = %scan3A_17) -> (i32)  : i32 {
      %mul3A_75 = arith.constant 80 : i32
      %mul3A_76 = arith.muli %add3A, %mul3A_75 : i32
      %add3A_77 = vector.broadcast %mul3A_76 : i32 to vector<16xi32>
      %add3A_78 = arith.addi %iota3A, %add3A_77 : vector<16xi32>
      %mul3A_79 = arith.constant 16 : i32
      %mul3A_80 = arith.muli %scan3A_73, %mul3A_79 : i32
      %add3A_81 = vector.broadcast %mul3A_80 : i32 to vector<16xi32>
      %add3A_82 = arith.addi %add3A_78, %add3A_81 : vector<16xi32>
      %swap3A = arith.constant 0 : index
      %swap3A_83 = tpu.vector_load %arg7[%swap3A] {strides = array<i32>} : memref<16xi32, #tpu.memory_space<vmem>>, vector<16xi32>,
      %swap3A_84 = vector.shape_cast %swap3A_83 : vector<16xi32> to vector<16xi32>
      %swap3A_85 = vector.shape_cast %add3A_82 : vector<16xi32> to vector<16xi32>
      tpu.vector_store %arg7[%swap3A], %swap3A_85 {strides = array<i32>} : memref<16xi32, #tpu.memory_space<vmem>>, vector<16xi32>,
      %dma_start3A = arith.constant 0 : i32
      %dma_start3A_86 = arith.constant 0 : i32
      %dma_start3A_87 = tpu.memref_slice %arg3[%dma_start3A, %dma_start3A_86] : memref<2560x128xi32, #tpu.memory_space<hbm>> -> memref<2560x128xi32, #tpu.memory_space<hbm>>
      tpu.enqueue_indirect_dma source(%dma_start3A_87 : memref<2560x128xi32, #tpu.memory_space<hbm>>) target(%arg8 : memref<16x128xi32, #tpu.memory_space<vmem>>) offsets(%arg7 : memref<16xi32, #tpu.memory_space<vmem>>) semaphore(%arg12 : memref<!tpu.dma_semaphore, #tpu.memory_space<semaphore_mem>>)
      %dma_wait3A = arith.constant 0 : i32
      %dma_wait3A_88 = arith.constant 0 : i32
      %dma_wait3A_89 = tpu.memref_slice %arg3[%dma_wait3A, %dma_wait3A_88] : memref<2560x128xi32, #tpu.memory_space<hbm>> -> memref<2560x128xi32, #tpu.memory_space<hbm>>
      tpu.wait_indirect_dma semaphore(%arg12 : memref<!tpu.dma_semaphore, #tpu.memory_space<semaphore_mem>>) src(%dma_wait3A_89 : memref<2560x128xi32, #tpu.memory_space<hbm>>) dst(%arg8 : memref<16x128xi32, #tpu.memory_space<vmem>>)
      %dma_start3A_90 = arith.constant 0 : i32
      %dma_start3A_91 = arith.constant 0 : i32
      %dma_start3A_92 = tpu.memref_slice %arg4[%dma_start3A_90, %dma_start3A_91] : memref<2560x128xi32, #tpu.memory_space<hbm>> -> memref<2560x128xi32, #tpu.memory_space<hbm>>
      tpu.enqueue_indirect_dma source(%dma_start3A_92 : memref<2560x128xi32, #tpu.memory_space<hbm>>) target(%arg9 : memref<16x128xi32, #tpu.memory_space<vmem>>) offsets(%arg7 : memref<16xi32, #tpu.memory_space<vmem>>) semaphore(%arg12 : memref<!tpu.dma_semaphore, #tpu.memory_space<semaphore_mem>>)
      %dma_wait3A_93 = arith.constant 0 : i32
      %dma_wait3A_94 = arith.constant 0 : i32
      %dma_wait3A_95 = tpu.memref_slice %arg4[%dma_wait3A_93, %dma_wait3A_94] : memref<2560x128xi32, #tpu.memory_space<hbm>> -> memref<2560x128xi32, #tpu.memory_space<hbm>>
      tpu.wait_indirect_dma semaphore(%arg12 : memref<!tpu.dma_semaphore, #tpu.memory_space<semaphore_mem>>) src(%dma_wait3A_95 : memref<2560x128xi32, #tpu.memory_space<hbm>>) dst(%arg9 : memref<16x128xi32, #tpu.memory_space<vmem>>)
      %scan3A_96 = arith.constant 0 : i32
      %scan3A_97 = arith.constant 0 : i32
      %scan3A_98 = arith.constant 16 : i32
      %scan3A_99 = arith.addi %scan3A_97, %scan3A_98 : i32
      %scan3A_100 = arith.constant 1 : i32
      %scan3A_101 = scf.for %scan3A_104 = %scan3A_97 to %scan3A_99 step %scan3A_100 iter_args(%scan3A_105 = %scan3A_96) -> (i32)  : i32 {
        %dma_start3A_106 = arith.constant 0 : i32
        %dma_start3A_107 = tpu.memref_slice %arg8[%scan3A_104, %dma_start3A_106] : memref<16x128xi32, #tpu.memory_space<vmem>> -> memref<1x128xi32, #tpu.memory_space<vmem>>
        %dma_start3A_108 = tpu.memref_squeeze %dma_start3A_107 : memref<1x128xi32, #tpu.memory_space<vmem>> -> memref<128xi32, #tpu.memory_space<vmem>>
        %dma_start3A_109 = arith.constant 0 : i32
        %dma_start3A_110 = arith.constant 0 : i32
        %dma_start3A_111 = tpu.memref_slice %arg2[%dma_start3A_109, %dma_start3A_110] : memref<10000x128xf32, #tpu.memory_space<hbm>> -> memref<10000x128xf32, #tpu.memory_space<hbm>>
        tpu.enqueue_indirect_dma source(%dma_start3A_111 : memref<10000x128xf32, #tpu.memory_space<hbm>>) target(%arg10 : memref<128x128xf32, #tpu.memory_space<vmem>>) offsets(%dma_start3A_108 : memref<128xi32, #tpu.memory_space<vmem>>) semaphore(%arg12 : memref<!tpu.dma_semaphore, #tpu.memory_space<semaphore_mem>>)
        %dma_wait3A_112 = arith.constant 0 : i32
        %dma_wait3A_113 = tpu.memref_slice %arg8[%scan3A_104, %dma_wait3A_112] : memref<16x128xi32, #tpu.memory_space<vmem>> -> memref<1x128xi32, #tpu.memory_space<vmem>>
        %dma_wait3A_114 = tpu.memref_squeeze %dma_wait3A_113 : memref<1x128xi32, #tpu.memory_space<vmem>> -> memref<128xi32, #tpu.memory_space<vmem>>
        %dma_wait3A_115 = arith.constant 0 : i32
        %dma_wait3A_116 = arith.constant 0 : i32
        %dma_wait3A_117 = tpu.memref_slice %arg2[%dma_wait3A_115, %dma_wait3A_116] : memref<10000x128xf32, #tpu.memory_space<hbm>> -> memref<10000x128xf32, #tpu.memory_space<hbm>>
        tpu.wait_indirect_dma semaphore(%arg12 : memref<!tpu.dma_semaphore, #tpu.memory_space<semaphore_mem>>) src(%dma_wait3A_117 : memref<10000x128xf32, #tpu.memory_space<hbm>>) dst(%arg10 : memref<128x128xf32, #tpu.memory_space<vmem>>)
        "tpu.region"() ({
          %run_scoped3A = tpu.sem_alloc : memref<!tpu.dma_semaphore, #tpu.memory_space<semaphore_mem>>
          %dma_start3A_119 = arith.constant 0 : i32
          %dma_start3A_120 = tpu.memref_slice %arg9[%scan3A_104, %dma_start3A_119] : memref<16x128xi32, #tpu.memory_space<vmem>> -> memref<1x128xi32, #tpu.memory_space<vmem>>
          %dma_start3A_121 = tpu.memref_squeeze %dma_start3A_120 : memref<1x128xi32, #tpu.memory_space<vmem>> -> memref<128xi32, #tpu.memory_space<vmem>>
          %dma_start3A_122 = arith.constant 0 : i32
          %dma_start3A_123 = arith.constant 0 : i32
          %dma_start3A_124 = tpu.memref_slice %arg11[%dma_start3A_122, %dma_start3A_123] : memref<10240x128xf32, #tpu.memory_space<vmem_shared>> -> memref<10240x128xf32, #tpu.memory_space<vmem_shared>>
          tpu.enqueue_indirect_dma source(%arg10 : memref<128x128xf32, #tpu.memory_space<vmem>>) target(%dma_start3A_124 : memref<10240x128xf32, #tpu.memory_space<vmem_shared>>) offsets(%dma_start3A_121 : memref<128xi32, #tpu.memory_space<vmem>>) semaphore(%run_scoped3A : memref<!tpu.dma_semaphore, #tpu.memory_space<semaphore_mem>>) {add = true}
          %dma_wait3A_125 = arith.constant 0 : i32
          %dma_wait3A_126 = tpu.memref_slice %arg9[%scan3A_104, %dma_wait3A_125] : memref<16x128xi32, #tpu.memory_space<vmem>> -> memref<1x128xi32, #tpu.memory_space<vmem>>
          %dma_wait3A_127 = tpu.memref_squeeze %dma_wait3A_126 : memref<1x128xi32, #tpu.memory_space<vmem>> -> memref<128xi32, #tpu.memory_space<vmem>>
          %dma_wait3A_128 = arith.constant 0 : i32
          %dma_wait3A_129 = arith.constant 0 : i32
          %dma_wait3A_130 = tpu.memref_slice %arg11[%dma_wait3A_128, %dma_wait3A_129] : memref<10240x128xf32, #tpu.memory_space<vmem_shared>> -> memref<10240x128xf32, #tpu.memory_space<vmem_shared>>
          tpu.wait_indirect_dma semaphore(%run_scoped3A : memref<!tpu.dma_semaphore, #tpu.memory_space<semaphore_mem>>) src(%arg10 : memref<128x128xf32, #tpu.memory_space<vmem>>) dst(%dma_wait3A_130 : memref<10240x128xf32, #tpu.memory_space<vmem_shared>>)
          tpu.yield
        }) : () -> ()
        %scan3A_118 = arith.constant 0 : i32
        scf.yield %scan3A_118 : i32
      }
      %scan3A_102 = arith.constant 16 : i32
      %scan3A_103 = arith.constant 0 : i32
      scf.yield %scan3A_103 : i32
    }
    %scan3A_23 = arith.constant 5 : i32
    %barrier3A_24 = arith.constant 0 : index
    tpu.barrier barrier_id(%barrier3A_24)
    %scan3A_25 = arith.constant 0 : i32
    %scan3A_26 = arith.constant 0 : i32
    %scan3A_27 = arith.constant 5 : i32
    %scan3A_28 = arith.addi %scan3A_26, %scan3A_27 : i32
    %scan3A_29 = arith.constant 1 : i32
    %scan3A_30 = scf.for %scan3A_73 = %scan3A_26 to %scan3A_28 step %scan3A_29 iter_args(%scan3A_74 = %scan3A_25) -> (i32)  : i32 {
      %mul3A_75 = arith.constant 128 : i32
      %mul3A_76 = arith.muli %scan3A_73, %mul3A_75 : i32
      %add3A_77 = arith.addi %mul3A_2, %mul3A_76 : i32
      "tpu.region"() ({
        %run_scoped3A = tpu.sem_alloc : memref<!tpu.dma_semaphore, #tpu.memory_space<semaphore_mem>>
        %dma_start3A = arith.constant 0 : i32
        %dma_start3A_82 = tpu.memref_slice %arg11[%add3A_77, %dma_start3A] : memref<10240x128xf32, #tpu.memory_space<vmem_shared>> -> memref<128x128xf32, #tpu.memory_space<vmem_shared>>
        %dma_start3A_83 = arith.constant 0 : i32
        %dma_start3A_84 = tpu.memref_slice %arg11[%add3A_77, %dma_start3A_83] : memref<10240x128xf32, #tpu.memory_space<vmem_shared>> -> memref<128x128xf32, #tpu.memory_space<vmem_shared>>
        tpu.enqueue_dma source(%dma_start3A_84 : memref<128x128xf32, #tpu.memory_space<vmem_shared>>) target(%arg10 : memref<128x128xf32, #tpu.memory_space<vmem>>) target_semaphore(%run_scoped3A : memref<!tpu.dma_semaphore, #tpu.memory_space<semaphore_mem>>)
        %dma_wait3A = arith.constant 0 : i32
        %dma_wait3A_85 = tpu.memref_slice %arg11[%add3A_77, %dma_wait3A] : memref<10240x128xf32, #tpu.memory_space<vmem_shared>> -> memref<128x128xf32, #tpu.memory_space<vmem_shared>>
        %dma_wait3A_86 = arith.constant 0 : i32
        %dma_wait3A_87 = tpu.memref_slice %arg11[%add3A_77, %dma_wait3A_86] : memref<10240x128xf32, #tpu.memory_space<vmem_shared>> -> memref<128x128xf32, #tpu.memory_space<vmem_shared>>
        tpu.wait_dma2 semaphore(%run_scoped3A : memref<!tpu.dma_semaphore, #tpu.memory_space<semaphore_mem>>) src(%dma_wait3A_87 : memref<128x128xf32, #tpu.memory_space<vmem_shared>>) dst(%arg10 : memref<128x128xf32, #tpu.memory_space<vmem>>)
        tpu.yield
      }) : () -> ()
      %mul3A_78 = arith.constant 10240 : i32
      %mul3A_79 = arith.muli %arg0, %mul3A_78 : i32
      %add3A_80 = arith.addi %mul3A_79, %add3A_77 : i32
      "tpu.region"() ({
        %run_scoped3A = tpu.sem_alloc : memref<!tpu.dma_semaphore, #tpu.memory_space<semaphore_mem>>
        %dma_start3A = arith.constant 0 : i32
        %dma_start3A_82 = tpu.memref_slice %arg5[%add3A_80, %dma_start3A] : memref<20480x128xf32, #tpu.memory_space<hbm>> -> memref<128x128xf32, #tpu.memory_space<hbm>>
        %dma_start3A_83 = arith.constant 0 : i32
        %dma_start3A_84 = tpu.memref_slice %arg5[%add3A_80, %dma_start3A_83] : memref<20480x128xf32, #tpu.memory_space<hbm>> -> memref<128x128xf32, #tpu.memory_space<hbm>>
        tpu.enqueue_dma source(%arg10 : memref<128x128xf32, #tpu.memory_space<vmem>>) target(%dma_start3A_84 : memref<128x128xf32, #tpu.memory_space<hbm>>) target_semaphore(%run_scoped3A : memref<!tpu.dma_semaphore, #tpu.memory_space<semaphore_mem>>)
        %dma_wait3A = arith.constant 0 : i32
        %dma_wait3A_85 = tpu.memref_slice %arg5[%add3A_80, %dma_wait3A] : memref<20480x128xf32, #tpu.memory_space<hbm>> -> memref<128x128xf32, #tpu.memory_space<hbm>>
        %dma_wait3A_86 = arith.constant 0 : i32
        %dma_wait3A_87 = tpu.memref_slice %arg5[%add3A_80, %dma_wait3A_86] : memref<20480x128xf32, #tpu.memory_space<hbm>> -> memref<128x128xf32, #tpu.memory_space<hbm>>
        tpu.wait_dma2 semaphore(%run_scoped3A : memref<!tpu.dma_semaphore, #tpu.memory_space<semaphore_mem>>) src(%arg10 : memref<128x128xf32, #tpu.memory_space<vmem>>) dst(%dma_wait3A_87 : memref<128x128xf32, #tpu.memory_space<hbm>>)
        tpu.yield
      }) : () -> ()
      %scan3A_81 = arith.constant 0 : i32
      scf.yield %scan3A_81 : i32
    }
    %scan3A_31 = arith.constant 5 : i32
    %broadcast_in_dim3A_32 = arith.constant 0.000000e+00 : f32
    %broadcast_in_dim3A_33 = vector.broadcast %broadcast_in_dim3A_32 : f32 to vector<16xf32>
    %scan3A_34 = arith.constant 0 : i32
    %scan3A_35 = arith.constant 0 : i32
    %scan3A_36 = arith.constant 128 : i32
    %scan3A_37 = arith.addi %scan3A_35, %scan3A_36 : i32
    %scan3A_38 = arith.constant 1 : i32
    %scan3A_39 = scf.for %scan3A_73 = %scan3A_35 to %scan3A_37 step %scan3A_38 iter_args(%scan3A_74 = %scan3A_34) -> (i32)  : i32 {
      %swap3A = arith.index_cast %scan3A_73 : i32 to index
      %swap3A_75 = arith.constant 0 : index
      %swap3A_76 = tpu.vector_load %arg10[%swap3A, %swap3A_75] {strides = array<i32>} : memref<128x128xf32, #tpu.memory_space<vmem>>, vector<1x16xf32>,
      %swap3A_77 = vector.shape_cast %swap3A_76 : vector<1x16xf32> to vector<16xf32>
      %swap3A_78 = vector.shape_cast %broadcast_in_dim3A_33 : vector<16xf32> to vector<1x16xf32>
      tpu.vector_store %arg10[%swap3A, %swap3A_75], %swap3A_78 {strides = array<i32>} : memref<128x128xf32, #tpu.memory_space<vmem>>, vector<1x16xf32>,
      %swap3A_79 = arith.index_cast %scan3A_73 : i32 to index
      %swap3A_80 = arith.constant 16 : index
      %swap3A_81 = tpu.vector_load %arg10[%swap3A_79, %swap3A_80] {strides = array<i32>} : memref<128x128xf32, #tpu.memory_space<vmem>>, vector<1x16xf32>,
      %swap3A_82 = vector.shape_cast %swap3A_81 : vector<1x16xf32> to vector<16xf32>
      %swap3A_83 = vector.shape_cast %broadcast_in_dim3A_33 : vector<16xf32> to vector<1x16xf32>
      tpu.vector_store %arg10[%swap3A_79, %swap3A_80], %swap3A_83 {strides = array<i32>} : memref<128x128xf32, #tpu.memory_space<vmem>>, vector<1x16xf32>,
      %swap3A_84 = arith.index_cast %scan3A_73 : i32 to index
      %swap3A_85 = arith.constant 32 : index
      %swap3A_86 = tpu.vector_load %arg10[%swap3A_84, %swap3A_85] {strides = array<i32>} : memref<128x128xf32, #tpu.memory_space<vmem>>, vector<1x16xf32>,
      %swap3A_87 = vector.shape_cast %swap3A_86 : vector<1x16xf32> to vector<16xf32>
      %swap3A_88 = vector.shape_cast %broadcast_in_dim3A_33 : vector<16xf32> to vector<1x16xf32>
      tpu.vector_store %arg10[%swap3A_84, %swap3A_85], %swap3A_88 {strides = array<i32>} : memref<128x128xf32, #tpu.memory_space<vmem>>, vector<1x16xf32>,
      %swap3A_89 = arith.index_cast %scan3A_73 : i32 to index
      %swap3A_90 = arith.constant 48 : index
      %swap3A_91 = tpu.vector_load %arg10[%swap3A_89, %swap3A_90] {strides = array<i32>} : memref<128x128xf32, #tpu.memory_space<vmem>>, vector<1x16xf32>,
      %swap3A_92 = vector.shape_cast %swap3A_91 : vector<1x16xf32> to vector<16xf32>
      %swap3A_93 = vector.shape_cast %broadcast_in_dim3A_33 : vector<16xf32> to vector<1x16xf32>
      tpu.vector_store %arg10[%swap3A_89, %swap3A_90], %swap3A_93 {strides = array<i32>} : memref<128x128xf32, #tpu.memory_space<vmem>>, vector<1x16xf32>,
      %swap3A_94 = arith.index_cast %scan3A_73 : i32 to index
      %swap3A_95 = arith.constant 64 : index
      %swap3A_96 = tpu.vector_load %arg10[%swap3A_94, %swap3A_95] {strides = array<i32>} : memref<128x128xf32, #tpu.memory_space<vmem>>, vector<1x16xf32>,
      %swap3A_97 = vector.shape_cast %swap3A_96 : vector<1x16xf32> to vector<16xf32>
      %swap3A_98 = vector.shape_cast %broadcast_in_dim3A_33 : vector<16xf32> to vector<1x16xf32>
      tpu.vector_store %arg10[%swap3A_94, %swap3A_95], %swap3A_98 {strides = array<i32>} : memref<128x128xf32, #tpu.memory_space<vmem>>, vector<1x16xf32>,
      %swap3A_99 = arith.index_cast %scan3A_73 : i32 to index
      %swap3A_100 = arith.constant 80 : index
      %swap3A_101 = tpu.vector_load %arg10[%swap3A_99, %swap3A_100] {strides = array<i32>} : memref<128x128xf32, #tpu.memory_space<vmem>>, vector<1x16xf32>,
      %swap3A_102 = vector.shape_cast %swap3A_101 : vector<1x16xf32> to vector<16xf32>
      %swap3A_103 = vector.shape_cast %broadcast_in_dim3A_33 : vector<16xf32> to vector<1x16xf32>
      tpu.vector_store %arg10[%swap3A_99, %swap3A_100], %swap3A_103 {strides = array<i32>} : memref<128x128xf32, #tpu.memory_space<vmem>>, vector<1x16xf32>,
      %swap3A_104 = arith.index_cast %scan3A_73 : i32 to index
      %swap3A_105 = arith.constant 96 : index
      %swap3A_106 = tpu.vector_load %arg10[%swap3A_104, %swap3A_105] {strides = array<i32>} : memref<128x128xf32, #tpu.memory_space<vmem>>, vector<1x16xf32>,
      %swap3A_107 = vector.shape_cast %swap3A_106 : vector<1x16xf32> to vector<16xf32>
      %swap3A_108 = vector.shape_cast %broadcast_in_dim3A_33 : vector<16xf32> to vector<1x16xf32>
      tpu.vector_store %arg10[%swap3A_104, %swap3A_105], %swap3A_108 {strides = array<i32>} : memref<128x128xf32, #tpu.memory_space<vmem>>, vector<1x16xf32>,
      %swap3A_109 = arith.index_cast %scan3A_73 : i32 to index
      %swap3A_110 = arith.constant 112 : index
      %swap3A_111 = tpu.vector_load %arg10[%swap3A_109, %swap3A_110] {strides = array<i32>} : memref<128x128xf32, #tpu.memory_space<vmem>>, vector<1x16xf32>,
      %swap3A_112 = vector.shape_cast %swap3A_111 : vector<1x16xf32> to vector<16xf32>
      %swap3A_113 = vector.shape_cast %broadcast_in_dim3A_33 : vector<16xf32> to vector<1x16xf32>
      tpu.vector_store %arg10[%swap3A_109, %swap3A_110], %swap3A_113 {strides = array<i32>} : memref<128x128xf32, #tpu.memory_space<vmem>>, vector<1x16xf32>,
      %scan3A_114 = arith.constant 0 : i32
      scf.yield %scan3A_114 : i32
    }
    %scan3A_40 = arith.constant 128 : i32
    %scan3A_41 = arith.constant 0 : i32
    %scan3A_42 = arith.constant 0 : i32
    %scan3A_43 = arith.constant 5 : i32
    %scan3A_44 = arith.addi %scan3A_42, %scan3A_43 : i32
    %scan3A_45 = arith.constant 1 : i32
    %scan3A_46 = scf.for %scan3A_73 = %scan3A_42 to %scan3A_44 step %scan3A_45 iter_args(%scan3A_74 = %scan3A_41) -> (i32)  : i32 {
      %mul3A_75 = arith.constant 128 : i32
      %mul3A_76 = arith.muli %scan3A_73, %mul3A_75 : i32
      %add3A_77 = arith.addi %mul3A_2, %mul3A_76 : i32
      "tpu.region"() ({
        %run_scoped3A = tpu.sem_alloc : memref<!tpu.dma_semaphore, #tpu.memory_space<semaphore_mem>>
        %dma_start3A = arith.constant 0 : i32
        %dma_start3A_79 = tpu.memref_slice %arg11[%add3A_77, %dma_start3A] : memref<10240x128xf32, #tpu.memory_space<vmem_shared>> -> memref<128x128xf32, #tpu.memory_space<vmem_shared>>
        %dma_start3A_80 = arith.constant 0 : i32
        %dma_start3A_81 = tpu.memref_slice %arg11[%add3A_77, %dma_start3A_80] : memref<10240x128xf32, #tpu.memory_space<vmem_shared>> -> memref<128x128xf32, #tpu.memory_space<vmem_shared>>
        tpu.enqueue_dma source(%arg10 : memref<128x128xf32, #tpu.memory_space<vmem>>) target(%dma_start3A_81 : memref<128x128xf32, #tpu.memory_space<vmem_shared>>) target_semaphore(%run_scoped3A : memref<!tpu.dma_semaphore, #tpu.memory_space<semaphore_mem>>)
        %dma_wait3A = arith.constant 0 : i32
        %dma_wait3A_82 = tpu.memref_slice %arg11[%add3A_77, %dma_wait3A] : memref<10240x128xf32, #tpu.memory_space<vmem_shared>> -> memref<128x128xf32, #tpu.memory_space<vmem_shared>>
        %dma_wait3A_83 = arith.constant 0 : i32
        %dma_wait3A_84 = tpu.memref_slice %arg11[%add3A_77, %dma_wait3A_83] : memref<10240x128xf32, #tpu.memory_space<vmem_shared>> -> memref<128x128xf32, #tpu.memory_space<vmem_shared>>
        tpu.wait_dma2 semaphore(%run_scoped3A : memref<!tpu.dma_semaphore, #tpu.memory_space<semaphore_mem>>) src(%arg10 : memref<128x128xf32, #tpu.memory_space<vmem>>) dst(%dma_wait3A_84 : memref<128x128xf32, #tpu.memory_space<vmem_shared>>)
        tpu.yield
      }) : () -> ()
      %scan3A_78 = arith.constant 0 : i32
      scf.yield %scan3A_78 : i32
    }
    %scan3A_47 = arith.constant 5 : i32
    %broadcast_in_dim3A_48 = arith.constant 1.000000e+00 : f32
    %broadcast_in_dim3A_49 = vector.broadcast %broadcast_in_dim3A_48 : f32 to vector<16xf32>
    %scan3A_50 = arith.constant 0 : i32
    %scan3A_51 = arith.constant 0 : i32
    %scan3A_52 = arith.constant 128 : i32
    %scan3A_53 = arith.addi %scan3A_51, %scan3A_52 : i32
    %scan3A_54 = arith.constant 1 : i32
    %scan3A_55 = scf.for %scan3A_73 = %scan3A_51 to %scan3A_53 step %scan3A_54 iter_args(%scan3A_74 = %scan3A_50) -> (i32)  : i32 {
      %swap3A = arith.index_cast %scan3A_73 : i32 to index
      %swap3A_75 = arith.constant 0 : index
      %swap3A_76 = tpu.vector_load %arg10[%swap3A, %swap3A_75] {strides = array<i32>} : memref<128x128xf32, #tpu.memory_space<vmem>>, vector<1x16xf32>,
      %swap3A_77 = vector.shape_cast %swap3A_76 : vector<1x16xf32> to vector<16xf32>
      %swap3A_78 = vector.shape_cast %broadcast_in_dim3A_49 : vector<16xf32> to vector<1x16xf32>
      tpu.vector_store %arg10[%swap3A, %swap3A_75], %swap3A_78 {strides = array<i32>} : memref<128x128xf32, #tpu.memory_space<vmem>>, vector<1x16xf32>,
      %swap3A_79 = arith.index_cast %scan3A_73 : i32 to index
      %swap3A_80 = arith.constant 16 : index
      %swap3A_81 = tpu.vector_load %arg10[%swap3A_79, %swap3A_80] {strides = array<i32>} : memref<128x128xf32, #tpu.memory_space<vmem>>, vector<1x16xf32>,
      %swap3A_82 = vector.shape_cast %swap3A_81 : vector<1x16xf32> to vector<16xf32>
      %swap3A_83 = vector.shape_cast %broadcast_in_dim3A_49 : vector<16xf32> to vector<1x16xf32>
      tpu.vector_store %arg10[%swap3A_79, %swap3A_80], %swap3A_83 {strides = array<i32>} : memref<128x128xf32, #tpu.memory_space<vmem>>, vector<1x16xf32>,
      %swap3A_84 = arith.index_cast %scan3A_73 : i32 to index
      %swap3A_85 = arith.constant 32 : index
      %swap3A_86 = tpu.vector_load %arg10[%swap3A_84, %swap3A_85] {strides = array<i32>} : memref<128x128xf32, #tpu.memory_space<vmem>>, vector<1x16xf32>,
      %swap3A_87 = vector.shape_cast %swap3A_86 : vector<1x16xf32> to vector<16xf32>
      %swap3A_88 = vector.shape_cast %broadcast_in_dim3A_49 : vector<16xf32> to vector<1x16xf32>
      tpu.vector_store %arg10[%swap3A_84, %swap3A_85], %swap3A_88 {strides = array<i32>} : memref<128x128xf32, #tpu.memory_space<vmem>>, vector<1x16xf32>,
      %swap3A_89 = arith.index_cast %scan3A_73 : i32 to index
      %swap3A_90 = arith.constant 48 : index
      %swap3A_91 = tpu.vector_load %arg10[%swap3A_89, %swap3A_90] {strides = array<i32>} : memref<128x128xf32, #tpu.memory_space<vmem>>, vector<1x16xf32>,
      %swap3A_92 = vector.shape_cast %swap3A_91 : vector<1x16xf32> to vector<16xf32>
      %swap3A_93 = vector.shape_cast %broadcast_in_dim3A_49 : vector<16xf32> to vector<1x16xf32>
      tpu.vector_store %arg10[%swap3A_89, %swap3A_90], %swap3A_93 {strides = array<i32>} : memref<128x128xf32, #tpu.memory_space<vmem>>, vector<1x16xf32>,
      %swap3A_94 = arith.index_cast %scan3A_73 : i32 to index
      %swap3A_95 = arith.constant 64 : index
      %swap3A_96 = tpu.vector_load %arg10[%swap3A_94, %swap3A_95] {strides = array<i32>} : memref<128x128xf32, #tpu.memory_space<vmem>>, vector<1x16xf32>,
      %swap3A_97 = vector.shape_cast %swap3A_96 : vector<1x16xf32> to vector<16xf32>
      %swap3A_98 = vector.shape_cast %broadcast_in_dim3A_49 : vector<16xf32> to vector<1x16xf32>
      tpu.vector_store %arg10[%swap3A_94, %swap3A_95], %swap3A_98 {strides = array<i32>} : memref<128x128xf32, #tpu.memory_space<vmem>>, vector<1x16xf32>,
      %swap3A_99 = arith.index_cast %scan3A_73 : i32 to index
      %swap3A_100 = arith.constant 80 : index
      %swap3A_101 = tpu.vector_load %arg10[%swap3A_99, %swap3A_100] {strides = array<i32>} : memref<128x128xf32, #tpu.memory_space<vmem>>, vector<1x16xf32>,
      %swap3A_102 = vector.shape_cast %swap3A_101 : vector<1x16xf32> to vector<16xf32>
      %swap3A_103 = vector.shape_cast %broadcast_in_dim3A_49 : vector<16xf32> to vector<1x16xf32>
      tpu.vector_store %arg10[%swap3A_99, %swap3A_100], %swap3A_103 {strides = array<i32>} : memref<128x128xf32, #tpu.memory_space<vmem>>, vector<1x16xf32>,
      %swap3A_104 = arith.index_cast %scan3A_73 : i32 to index
      %swap3A_105 = arith.constant 96 : index
      %swap3A_106 = tpu.vector_load %arg10[%swap3A_104, %swap3A_105] {strides = array<i32>} : memref<128x128xf32, #tpu.memory_space<vmem>>, vector<1x16xf32>,
      %swap3A_107 = vector.shape_cast %swap3A_106 : vector<1x16xf32> to vector<16xf32>
      %swap3A_108 = vector.shape_cast %broadcast_in_dim3A_49 : vector<16xf32> to vector<1x16xf32>
      tpu.vector_store %arg10[%swap3A_104, %swap3A_105], %swap3A_108 {strides = array<i32>} : memref<128x128xf32, #tpu.memory_space<vmem>>, vector<1x16xf32>,
      %swap3A_109 = arith.index_cast %scan3A_73 : i32 to index
      %swap3A_110 = arith.constant 112 : index
      %swap3A_111 = tpu.vector_load %arg10[%swap3A_109, %swap3A_110] {strides = array<i32>} : memref<128x128xf32, #tpu.memory_space<vmem>>, vector<1x16xf32>,
      %swap3A_112 = vector.shape_cast %swap3A_111 : vector<1x16xf32> to vector<16xf32>
      %swap3A_113 = vector.shape_cast %broadcast_in_dim3A_49 : vector<16xf32> to vector<1x16xf32>
      tpu.vector_store %arg10[%swap3A_109, %swap3A_110], %swap3A_113 {strides = array<i32>} : memref<128x128xf32, #tpu.memory_space<vmem>>, vector<1x16xf32>,
      %scan3A_114 = arith.constant 0 : i32
      scf.yield %scan3A_114 : i32
    }
    %scan3A_56 = arith.constant 128 : i32
    %barrier3A_57 = arith.constant 0 : index
    tpu.barrier barrier_id(%barrier3A_57)
    %scan3A_58 = arith.constant 0 : i32
    %scan3A_59 = arith.constant 0 : i32
    %scan3A_60 = arith.constant 5 : i32
    %scan3A_61 = arith.addi %scan3A_59, %scan3A_60 : i32
    %scan3A_62 = arith.constant 1 : i32
    %scan3A_63 = scf.for %scan3A_73 = %scan3A_59 to %scan3A_61 step %scan3A_62 iter_args(%scan3A_74 = %scan3A_58) -> (i32)  : i32 {
      %mul3A_75 = arith.constant 80 : i32
      %mul3A_76 = arith.muli %add3A, %mul3A_75 : i32
      %add3A_77 = vector.broadcast %mul3A_76 : i32 to vector<16xi32>
      %add3A_78 = arith.addi %iota3A, %add3A_77 : vector<16xi32>
      %mul3A_79 = arith.constant 16 : i32
      %mul3A_80 = arith.muli %scan3A_73, %mul3A_79 : i32
      %add3A_81 = vector.broadcast %mul3A_80 : i32 to vector<16xi32>
      %add3A_82 = arith.addi %add3A_78, %add3A_81 : vector<16xi32>
      %swap3A = arith.constant 0 : index
      %swap3A_83 = tpu.vector_load %arg7[%swap3A] {strides = array<i32>} : memref<16xi32, #tpu.memory_space<vmem>>, vector<16xi32>,
      %swap3A_84 = vector.shape_cast %swap3A_83 : vector<16xi32> to vector<16xi32>
      %swap3A_85 = vector.shape_cast %add3A_82 : vector<16xi32> to vector<16xi32>
      tpu.vector_store %arg7[%swap3A], %swap3A_85 {strides = array<i32>} : memref<16xi32, #tpu.memory_space<vmem>>, vector<16xi32>,
      %dma_start3A = arith.constant 0 : i32
      %dma_start3A_86 = arith.constant 0 : i32
      %dma_start3A_87 = tpu.memref_slice %arg4[%dma_start3A, %dma_start3A_86] : memref<2560x128xi32, #tpu.memory_space<hbm>> -> memref<2560x128xi32, #tpu.memory_space<hbm>>
      tpu.enqueue_indirect_dma source(%dma_start3A_87 : memref<2560x128xi32, #tpu.memory_space<hbm>>) target(%arg9 : memref<16x128xi32, #tpu.memory_space<vmem>>) offsets(%arg7 : memref<16xi32, #tpu.memory_space<vmem>>) semaphore(%arg12 : memref<!tpu.dma_semaphore, #tpu.memory_space<semaphore_mem>>)
      %dma_wait3A = arith.constant 0 : i32
      %dma_wait3A_88 = arith.constant 0 : i32
      %dma_wait3A_89 = tpu.memref_slice %arg4[%dma_wait3A, %dma_wait3A_88] : memref<2560x128xi32, #tpu.memory_space<hbm>> -> memref<2560x128xi32, #tpu.memory_space<hbm>>
      tpu.wait_indirect_dma semaphore(%arg12 : memref<!tpu.dma_semaphore, #tpu.memory_space<semaphore_mem>>) src(%dma_wait3A_89 : memref<2560x128xi32, #tpu.memory_space<hbm>>) dst(%arg9 : memref<16x128xi32, #tpu.memory_space<vmem>>)
      %scan3A_90 = arith.constant 0 : i32
      %scan3A_91 = arith.constant 0 : i32
      %scan3A_92 = arith.constant 16 : i32
      %scan3A_93 = arith.addi %scan3A_91, %scan3A_92 : i32
      %scan3A_94 = arith.constant 1 : i32
      %scan3A_95 = scf.for %scan3A_98 = %scan3A_91 to %scan3A_93 step %scan3A_94 iter_args(%scan3A_99 = %scan3A_90) -> (i32)  : i32 {
        "tpu.region"() ({
          %run_scoped3A = tpu.sem_alloc : memref<!tpu.dma_semaphore, #tpu.memory_space<semaphore_mem>>
          %dma_start3A_101 = arith.constant 0 : i32
          %dma_start3A_102 = tpu.memref_slice %arg9[%scan3A_98, %dma_start3A_101] : memref<16x128xi32, #tpu.memory_space<vmem>> -> memref<1x128xi32, #tpu.memory_space<vmem>>
          %dma_start3A_103 = tpu.memref_squeeze %dma_start3A_102 : memref<1x128xi32, #tpu.memory_space<vmem>> -> memref<128xi32, #tpu.memory_space<vmem>>
          %dma_start3A_104 = arith.constant 0 : i32
          %dma_start3A_105 = arith.constant 0 : i32
          %dma_start3A_106 = tpu.memref_slice %arg11[%dma_start3A_104, %dma_start3A_105] : memref<10240x128xf32, #tpu.memory_space<vmem_shared>> -> memref<10240x128xf32, #tpu.memory_space<vmem_shared>>
          tpu.enqueue_indirect_dma source(%arg10 : memref<128x128xf32, #tpu.memory_space<vmem>>) target(%dma_start3A_106 : memref<10240x128xf32, #tpu.memory_space<vmem_shared>>) offsets(%dma_start3A_103 : memref<128xi32, #tpu.memory_space<vmem>>) semaphore(%run_scoped3A : memref<!tpu.dma_semaphore, #tpu.memory_space<semaphore_mem>>) {add = true}
          %dma_wait3A_107 = arith.constant 0 : i32
          %dma_wait3A_108 = tpu.memref_slice %arg9[%scan3A_98, %dma_wait3A_107] : memref<16x128xi32, #tpu.memory_space<vmem>> -> memref<1x128xi32, #tpu.memory_space<vmem>>
          %dma_wait3A_109 = tpu.memref_squeeze %dma_wait3A_108 : memref<1x128xi32, #tpu.memory_space<vmem>> -> memref<128xi32, #tpu.memory_space<vmem>>
          %dma_wait3A_110 = arith.constant 0 : i32
          %dma_wait3A_111 = arith.constant 0 : i32
          %dma_wait3A_112 = tpu.memref_slice %arg11[%dma_wait3A_110, %dma_wait3A_111] : memref<10240x128xf32, #tpu.memory_space<vmem_shared>> -> memref<10240x128xf32, #tpu.memory_space<vmem_shared>>
          tpu.wait_indirect_dma semaphore(%run_scoped3A : memref<!tpu.dma_semaphore, #tpu.memory_space<semaphore_mem>>) src(%arg10 : memref<128x128xf32, #tpu.memory_space<vmem>>) dst(%dma_wait3A_112 : memref<10240x128xf32, #tpu.memory_space<vmem_shared>>)
          tpu.yield
        }) : () -> ()
        %scan3A_100 = arith.constant 0 : i32
        scf.yield %scan3A_100 : i32
      }
      %scan3A_96 = arith.constant 16 : i32
      %scan3A_97 = arith.constant 0 : i32
      scf.yield %scan3A_97 : i32
    }
    %scan3A_64 = arith.constant 5 : i32
    %barrier3A_65 = arith.constant 0 : index
    tpu.barrier barrier_id(%barrier3A_65)
    %scan3A_66 = arith.constant 0 : i32
    %scan3A_67 = arith.constant 0 : i32
    %scan3A_68 = arith.constant 5 : i32
    %scan3A_69 = arith.addi %scan3A_67, %scan3A_68 : i32
    %scan3A_70 = arith.constant 1 : i32
    %scan3A_71 = scf.for %scan3A_73 = %scan3A_67 to %scan3A_69 step %scan3A_70 iter_args(%scan3A_74 = %scan3A_66) -> (i32)  : i32 {
      %mul3A_75 = arith.constant 128 : i32
      %mul3A_76 = arith.muli %scan3A_73, %mul3A_75 : i32
      %add3A_77 = arith.addi %mul3A_2, %mul3A_76 : i32
      "tpu.region"() ({
        %run_scoped3A = tpu.sem_alloc : memref<!tpu.dma_semaphore, #tpu.memory_space<semaphore_mem>>
        %dma_start3A = arith.constant 0 : i32
        %dma_start3A_82 = tpu.memref_slice %arg11[%add3A_77, %dma_start3A] : memref<10240x128xf32, #tpu.memory_space<vmem_shared>> -> memref<128x128xf32, #tpu.memory_space<vmem_shared>>
        %dma_start3A_83 = arith.constant 0 : i32
        %dma_start3A_84 = tpu.memref_slice %arg11[%add3A_77, %dma_start3A_83] : memref<10240x128xf32, #tpu.memory_space<vmem_shared>> -> memref<128x128xf32, #tpu.memory_space<vmem_shared>>
        tpu.enqueue_dma source(%dma_start3A_84 : memref<128x128xf32, #tpu.memory_space<vmem_shared>>) target(%arg10 : memref<128x128xf32, #tpu.memory_space<vmem>>) target_semaphore(%run_scoped3A : memref<!tpu.dma_semaphore, #tpu.memory_space<semaphore_mem>>)
        %dma_wait3A = arith.constant 0 : i32
        %dma_wait3A_85 = tpu.memref_slice %arg11[%add3A_77, %dma_wait3A] : memref<10240x128xf32, #tpu.memory_space<vmem_shared>> -> memref<128x128xf32, #tpu.memory_space<vmem_shared>>
        %dma_wait3A_86 = arith.constant 0 : i32
        %dma_wait3A_87 = tpu.memref_slice %arg11[%add3A_77, %dma_wait3A_86] : memref<10240x128xf32, #tpu.memory_space<vmem_shared>> -> memref<128x128xf32, #tpu.memory_space<vmem_shared>>
        tpu.wait_dma2 semaphore(%run_scoped3A : memref<!tpu.dma_semaphore, #tpu.memory_space<semaphore_mem>>) src(%dma_wait3A_87 : memref<128x128xf32, #tpu.memory_space<vmem_shared>>) dst(%arg10 : memref<128x128xf32, #tpu.memory_space<vmem>>)
        tpu.yield
      }) : () -> ()
      %mul3A_78 = arith.constant 10240 : i32
      %mul3A_79 = arith.muli %arg0, %mul3A_78 : i32
      %add3A_80 = arith.addi %mul3A_79, %add3A_77 : i32
      "tpu.region"() ({
        %run_scoped3A = tpu.sem_alloc : memref<!tpu.dma_semaphore, #tpu.memory_space<semaphore_mem>>
        %dma_start3A = arith.constant 0 : i32
        %dma_start3A_82 = tpu.memref_slice %arg6[%add3A_80, %dma_start3A] : memref<20480x128xf32, #tpu.memory_space<hbm>> -> memref<128x128xf32, #tpu.memory_space<hbm>>
        %dma_start3A_83 = arith.constant 0 : i32
        %dma_start3A_84 = tpu.memref_slice %arg6[%add3A_80, %dma_start3A_83] : memref<20480x128xf32, #tpu.memory_space<hbm>> -> memref<128x128xf32, #tpu.memory_space<hbm>>
        tpu.enqueue_dma source(%arg10 : memref<128x128xf32, #tpu.memory_space<vmem>>) target(%dma_start3A_84 : memref<128x128xf32, #tpu.memory_space<hbm>>) target_semaphore(%run_scoped3A : memref<!tpu.dma_semaphore, #tpu.memory_space<semaphore_mem>>)
        %dma_wait3A = arith.constant 0 : i32
        %dma_wait3A_85 = tpu.memref_slice %arg6[%add3A_80, %dma_wait3A] : memref<20480x128xf32, #tpu.memory_space<hbm>> -> memref<128x128xf32, #tpu.memory_space<hbm>>
        %dma_wait3A_86 = arith.constant 0 : i32
        %dma_wait3A_87 = tpu.memref_slice %arg6[%add3A_80, %dma_wait3A_86] : memref<20480x128xf32, #tpu.memory_space<hbm>> -> memref<128x128xf32, #tpu.memory_space<hbm>>
        tpu.wait_dma2 semaphore(%run_scoped3A : memref<!tpu.dma_semaphore, #tpu.memory_space<semaphore_mem>>) src(%arg10 : memref<128x128xf32, #tpu.memory_space<vmem>>) dst(%dma_wait3A_87 : memref<128x128xf32, #tpu.memory_space<hbm>>)
        tpu.yield
      }) : () -> ()
      %scan3A_81 = arith.constant 0 : i32
      scf.yield %scan3A_81 : i32
    }
    %scan3A_72 = arith.constant 5 : i32
    return
  }
}

module attributes {stable_mosaic.version = 14 : i64} {
  func.func @body(%arg0: i32, %arg1: memref<1000x128xf32, #tpu.memory_space<vmem>>, %arg2: memref<128x128xf32, #tpu.memory_space<vmem>>, %arg3: memref<1x128xf32, #tpu.memory_space<vmem>>, %arg4: memref<1000x128xf32, #tpu.memory_space<vmem>>) attributes {dimension_semantics = [#tpu.dimension_semantics<arbitrary>], iteration_bounds = array<i64: 10>, scalar_prefetch = 0 : i64, scratch_operands = 0 : i64, tpu.core_type = #tpu.core_type<tc>, window_params = [{transform_indices = @transform_0, window_bounds = array<i64: 1000, 128>}, {pipeline_mode = #tpu.pipeline_mode<synchronous>, transform_indices = @transform_1, window_bounds = array<i64: 128, 128>}, {pipeline_mode = #tpu.pipeline_mode<synchronous>, transform_indices = @transform_2, window_bounds = array<i64: 1, 128>}, {transform_indices = @transform_3, window_bounds = array<i64: 1000, 128>}]} {
    %get3A = arith.constant 0 : index
    %get3A_0 = arith.constant 0 : index
    %get3A_1 = vector.load %arg1[%get3A, %get3A_0] : memref<1000x128xf32, #tpu.memory_space<vmem>>, vector<1000x128xf32>
    %get3A_2 = arith.constant 0 : index
    %get3A_3 = arith.constant 0 : index
    %get3A_4 = vector.load %arg2[%get3A_2, %get3A_3] : memref<128x128xf32, #tpu.memory_space<vmem>>, vector<128x128xf32>
    %dot_general3A = arith.constant dense<0.000000e+00> : vector<1000x128xf32>
    %dot_general3A_5 = tpu.matmul %get3A_1, %get3A_4, %dot_general3A {dimension_numbers = #tpu.dot_dimension_numbers<[1], [0], [0], [1], [0, 0, 1, 1], [], []>, transpose_lhs_hint = false} : vector<1000x128xf32>, vector<128x128xf32>, vector<1000x128xf32> -> vector<1000x128xf32>
    %get3A_6 = arith.constant 0 : index
    %get3A_7 = arith.constant 0 : index
    %get3A_8 = vector.load %arg3[%get3A_6, %get3A_7] : memref<1x128xf32, #tpu.memory_space<vmem>>, vector<1x128xf32>
    %add3A = vector.broadcast %get3A_8 : vector<1x128xf32> to vector<1000x128xf32>
    %add3A_9 = arith.addf %dot_general3A_5, %add3A : vector<1000x128xf32>
    %max3A = arith.constant 0.000000e+00 : f32
    %max3A_10 = vector.broadcast %max3A : f32 to vector<1000x128xf32>
    %max3A_11 = arith.maximumf %add3A_9, %max3A_10 : vector<1000x128xf32>
    %swap3A = arith.constant 0 : index
    %swap3A_12 = arith.constant 0 : index
    %swap3A_13 = vector.load %arg4[%swap3A, %swap3A_12] : memref<1000x128xf32, #tpu.memory_space<vmem>>, vector<1000x128xf32>
    tpu.vector_store %arg4[%swap3A, %swap3A_12], %max3A_11 {strides = array<i32>} : memref<1000x128xf32, #tpu.memory_space<vmem>>, vector<1000x128xf32>,
    return
  }
  func.func @transform_0(%arg0: i32) -> (i32, i32) {
    %c0_i32 = arith.constant 0 : i32
    %c0_i32_0 = arith.constant 0 : i32
    return %arg0, %c0_i32 : i32, i32
  }
  func.func @transform_1(%arg0: i32) -> (i32, i32) {
    %c0_i32 = arith.constant 0 : i32
    %c0_i32_0 = arith.constant 0 : i32
    %c0_i32_1 = arith.constant 0 : i32
    return %c0_i32, %c0_i32_0 : i32, i32
  }
  func.func @transform_2(%arg0: i32) -> (i32, i32) {
    %c0_i32 = arith.constant 0 : i32
    %c0_i32_0 = arith.constant 0 : i32
    %c0_i32_1 = arith.constant 0 : i32
    return %c0_i32, %c0_i32_0 : i32, i32
  }
  func.func @transform_3(%arg0: i32) -> (i32, i32) {
    %c0_i32 = arith.constant 0 : i32
    %c0_i32_0 = arith.constant 0 : i32
    return %arg0, %c0_i32 : i32, i32
  }
}

module attributes {stable_mosaic.version = 14 : i64} {
  func.func @body(%arg0: i32, %arg1: memref<1280x128xf32, #tpu.memory_space<vmem>>, %arg2: memref<2x1280x128xf32, #tpu.memory_space<vmem>>, %arg3: memref<2x1280x128xf32, #tpu.memory_space<vmem>>, %arg4: memref<128x128xf32, #tpu.memory_space<vmem>>, %arg5: memref<128x128xf32, #tpu.memory_space<vmem>>, %arg6: memref<1x128xf32, #tpu.memory_space<vmem>>, %arg7: memref<1280x128xf32, #tpu.memory_space<vmem>>) attributes {dimension_semantics = [#tpu.dimension_semantics<arbitrary>], iteration_bounds = array<i64: 8>, scalar_prefetch = 0 : i64, scratch_operands = 0 : i64, tpu.core_type = #tpu.core_type<tc>, window_params = [{transform_indices = @transform_0, window_bounds = array<i64: 1280, 128>}, {transform_indices = @transform_1, window_bounds = array<i64: 2, 1280, 128>}, {transform_indices = @transform_2, window_bounds = array<i64: 2, 1280, 128>}, {pipeline_mode = #tpu.pipeline_mode<synchronous>, transform_indices = @transform_3, window_bounds = array<i64: 128, 128>}, {pipeline_mode = #tpu.pipeline_mode<synchronous>, transform_indices = @transform_4, window_bounds = array<i64: 128, 128>}, {pipeline_mode = #tpu.pipeline_mode<synchronous>, transform_indices = @transform_5, window_bounds = array<i64: 1, 128>}, {transform_indices = @transform_6, window_bounds = array<i64: 1280, 128>}]} {
    %get3A = arith.constant 0 : index
    %get3A_0 = arith.constant 0 : index
    %get3A_1 = arith.constant 0 : index
    %get3A_2 = vector.load %arg2[%get3A, %get3A_0, %get3A_1] : memref<2x1280x128xf32, #tpu.memory_space<vmem>>, vector<1x1280x128xf32>
    %get3A_3 = vector.shape_cast %get3A_2 : vector<1x1280x128xf32> to vector<1280x128xf32>
    %get3A_4 = arith.constant 1 : index
    %get3A_5 = arith.constant 0 : index
    %get3A_6 = arith.constant 0 : index
    %get3A_7 = vector.load %arg2[%get3A_4, %get3A_5, %get3A_6] : memref<2x1280x128xf32, #tpu.memory_space<vmem>>, vector<1x1280x128xf32>
    %get3A_8 = vector.shape_cast %get3A_7 : vector<1x1280x128xf32> to vector<1280x128xf32>
    %add3A = arith.addf %get3A_3, %get3A_8 : vector<1280x128xf32>
    %get3A_9 = arith.constant 0 : index
    %get3A_10 = arith.constant 0 : index
    %get3A_11 = arith.constant 0 : index
    %get3A_12 = vector.load %arg3[%get3A_9, %get3A_10, %get3A_11] : memref<2x1280x128xf32, #tpu.memory_space<vmem>>, vector<1x1280x1xf32>
    %get3A_13 = vector.shape_cast %get3A_12 : vector<1x1280x1xf32> to vector<1280x1xf32>
    %get3A_14 = arith.constant 1 : index
    %get3A_15 = arith.constant 0 : index
    %get3A_16 = arith.constant 0 : index
    %get3A_17 = vector.load %arg3[%get3A_14, %get3A_15, %get3A_16] : memref<2x1280x128xf32, #tpu.memory_space<vmem>>, vector<1x1280x1xf32>
    %get3A_18 = vector.shape_cast %get3A_17 : vector<1x1280x1xf32> to vector<1280x1xf32>
    %add3A_19 = arith.addf %get3A_13, %get3A_18 : vector<1280x1xf32>
    %max3A = arith.constant 1.000000e+00 : f32
    %max3A_20 = vector.broadcast %max3A : f32 to vector<1280x1xf32>
    %max3A_21 = arith.maximumf %add3A_19, %max3A_20 : vector<1280x1xf32>
    %div3A = vector.broadcast %max3A_21 : vector<1280x1xf32> to vector<1280x128xf32>
    %div3A_22 = arith.divf %add3A, %div3A : vector<1280x128xf32>
    %get3A_23 = arith.constant 0 : index
    %get3A_24 = arith.constant 0 : index
    %get3A_25 = vector.load %arg4[%get3A_23, %get3A_24] : memref<128x128xf32, #tpu.memory_space<vmem>>, vector<128x128xf32>
    %dot_general3A = arith.constant dense<0.000000e+00> : vector<1280x128xf32>
    %dot_general3A_26 = tpu.matmul %div3A_22, %get3A_25, %dot_general3A {dimension_numbers = #tpu.dot_dimension_numbers<[1], [0], [0], [1], [0, 0, 1, 1], [], []>, transpose_lhs_hint = false} : vector<1280x128xf32>, vector<128x128xf32>, vector<1280x128xf32> -> vector<1280x128xf32>
    %get3A_27 = arith.constant 0 : index
    %get3A_28 = arith.constant 0 : index
    %get3A_29 = vector.load %arg1[%get3A_27, %get3A_28] : memref<1280x128xf32, #tpu.memory_space<vmem>>, vector<1280x128xf32>
    %get3A_30 = arith.constant 0 : index
    %get3A_31 = arith.constant 0 : index
    %get3A_32 = vector.load %arg5[%get3A_30, %get3A_31] : memref<128x128xf32, #tpu.memory_space<vmem>>, vector<128x128xf32>
    %dot_general3A_33 = arith.constant dense<0.000000e+00> : vector<1280x128xf32>
    %dot_general3A_34 = tpu.matmul %get3A_29, %get3A_32, %dot_general3A_33 {dimension_numbers = #tpu.dot_dimension_numbers<[1], [0], [0], [1], [0, 0, 1, 1], [], []>, transpose_lhs_hint = false} : vector<1280x128xf32>, vector<128x128xf32>, vector<1280x128xf32> -> vector<1280x128xf32>
    %add3A_35 = arith.addf %dot_general3A_26, %dot_general3A_34 : vector<1280x128xf32>
    %get3A_36 = arith.constant 0 : index
    %get3A_37 = arith.constant 0 : index
    %get3A_38 = vector.load %arg6[%get3A_36, %get3A_37] : memref<1x128xf32, #tpu.memory_space<vmem>>, vector<1x128xf32>
    %add3A_39 = vector.broadcast %get3A_38 : vector<1x128xf32> to vector<1280x128xf32>
    %add3A_40 = arith.addf %add3A_35, %add3A_39 : vector<1280x128xf32>
    %mul3A = arith.mulf %add3A_40, %add3A_40 : vector<1280x128xf32>
    %reduce_sum3A = arith.constant dense<0.000000e+00> : vector<1280xf32>
    %reduce_sum3A_41 = vector.multi_reduction <add>, %mul3A, %reduce_sum3A [1] : vector<1280x128xf32> to vector<1280xf32>
    %broadcast_in_dim3A = vector.shape_cast %reduce_sum3A_41 : vector<1280xf32> to vector<1280x1xf32>
    %sqrt3A = math.sqrt %broadcast_in_dim3A : vector<1280x1xf32>
    %max3A_42 = arith.constant 9.99999996E-13 : f32
    %max3A_43 = vector.broadcast %max3A_42 : f32 to vector<1280x1xf32>
    %max3A_44 = arith.maximumf %sqrt3A, %max3A_43 : vector<1280x1xf32>
    %div3A_45 = vector.broadcast %max3A_44 : vector<1280x1xf32> to vector<1280x128xf32>
    %div3A_46 = arith.divf %add3A_40, %div3A_45 : vector<1280x128xf32>
    %gt3A = arith.constant 0.000000e+00 : f32
    %gt3A_47 = vector.broadcast %gt3A : f32 to vector<1280x128xf32>
    %gt3A_48 = arith.cmpf ogt, %div3A_46, %gt3A_47 : vector<1280x128xf32>
    %min3A = arith.constant 0.000000e+00 : f32
    %min3A_49 = vector.broadcast %min3A : f32 to vector<1280x128xf32>
    %min3A_50 = arith.minimumf %div3A_46, %min3A_49 : vector<1280x128xf32>
    %exp3A = math.exp %min3A_50 : vector<1280x128xf32>
    %sub3A = arith.constant 1.000000e+00 : f32
    %sub3A_51 = vector.broadcast %sub3A : f32 to vector<1280x128xf32>
    %sub3A_52 = arith.subf %exp3A, %sub3A_51 : vector<1280x128xf32>
    %select_n3A = arith.select %gt3A_48, %div3A_46, %sub3A_52 : vector<1280x128xi1>, vector<1280x128xf32>
    %swap3A = arith.constant 0 : index
    %swap3A_53 = arith.constant 0 : index
    %swap3A_54 = vector.load %arg7[%swap3A, %swap3A_53] : memref<1280x128xf32, #tpu.memory_space<vmem>>, vector<1280x128xf32>
    tpu.vector_store %arg7[%swap3A, %swap3A_53], %select_n3A {strides = array<i32>} : memref<1280x128xf32, #tpu.memory_space<vmem>>, vector<1280x128xf32>,
    return
  }
  func.func @transform_0(%arg0: i32) -> (i32, i32) {
    %c0_i32 = arith.constant 0 : i32
    %c0_i32_0 = arith.constant 0 : i32
    return %arg0, %c0_i32 : i32, i32
  }
  func.func @transform_1(%arg0: i32) -> (i32, i32, i32) {
    %c0_i32 = arith.constant 0 : i32
    %c0_i32_0 = arith.constant 0 : i32
    %c0_i32_1 = arith.constant 0 : i32
    return %c0_i32, %arg0, %c0_i32_0 : i32, i32, i32
  }
  func.func @transform_2(%arg0: i32) -> (i32, i32, i32) {
    %c0_i32 = arith.constant 0 : i32
    %c0_i32_0 = arith.constant 0 : i32
    %c0_i32_1 = arith.constant 0 : i32
    return %c0_i32, %arg0, %c0_i32_0 : i32, i32, i32
  }
  func.func @transform_3(%arg0: i32) -> (i32, i32) {
    %c0_i32 = arith.constant 0 : i32
    %c0_i32_0 = arith.constant 0 : i32
    %c0_i32_1 = arith.constant 0 : i32
    return %c0_i32, %c0_i32_0 : i32, i32
  }
  func.func @transform_4(%arg0: i32) -> (i32, i32) {
    %c0_i32 = arith.constant 0 : i32
    %c0_i32_0 = arith.constant 0 : i32
    %c0_i32_1 = arith.constant 0 : i32
    return %c0_i32, %c0_i32_0 : i32, i32
  }
  func.func @transform_5(%arg0: i32) -> (i32, i32) {
    %c0_i32 = arith.constant 0 : i32
    %c0_i32_0 = arith.constant 0 : i32
    %c0_i32_1 = arith.constant 0 : i32
    return %c0_i32, %c0_i32_0 : i32, i32
  }
  func.func @transform_6(%arg0: i32) -> (i32, i32) {
    %c0_i32 = arith.constant 0 : i32
    %c0_i32_0 = arith.constant 0 : i32
    return %arg0, %c0_i32 : i32, i32
  }
}

</mosaic_0001>

<sc_bundles>
// kernel: kernel.5.cloned.1.call-start
scs
__scs_entry_jumppad:
0x0: {  	(pc) =	sbr.rel $0x88, $3  }
0x1: {  	(tag) =	ssettag $0x0;
	lr =	simm.s32 $0x1  }
0x2: {  	[smem:$0x3F9A] =	sst lr;
	_ =	strace $0xD0000000  }
0x3: {  	_ = 	snop  }
0x4: {  	_ = 	snop  }
0x5: {  	_ = 	snop  }
0x6: {  	_ = 	snop  }
0x7: {  	_ = 	snop  }
__scs_overlays_trampoline_lowered:
0x8: {  	[smem:$0x3FA9] =	sst s0  }
0x9: {  	[smem:$0x3FAA] =	sst s1  }
0xa: {  	[smem:$0x3FAB] =	sst s2  }
0xb: {  	[smem:$0x3FAC] =	sst s3  }
0xc: {  	[smem:$0x3FAD] =	sst s4  }
0xd: {  	[smem:$0x3FAE] =	sst s5  }
0xe: {  	[smem:$0x3FAF] =	sst s6  }
0xf: {  	[smem:$0x3FB0] =	sst s7  }
0x10: {  	[smem:$0x3FB1] =	sst s8  }
0x11: {  	[smem:$0x3FB2] =	sst s9;
	s0 =	simm.s32 @!p0 $0x0  }
0x12: {  	s1 =	sld [smem:$0x3F98];
	s0 =	simm.s32 @p0 $0x1  }
0x13: {  	[smem:$0x3FB3] =	sst s0;
	s0 =	simm.s32 @!p1 $0x0  }
0x14: {  	s2 =	sld [smem:$0x3F97];
	s0 =	simm.s32 @p1 $0x1  }
0x15: {  	[smem:$0x3FB4] =	sst s0;
	s0 =	simm.s32 @!p2 $0x0  }
0x16: {  	s3 =	sld [smem:$0x3FDB];
	s0 =	simm.s32 @p2 $0x1  }
0x17: {  	s4 =	simm.s32 $0x1BF5;
	[smem:$0x3FB6] =	sst s0  }
0x18: {  	s0 =	sld [smem:$0x3F99];
	_ =	swait.ge [sflag:s4], $0x0  }
0x19: {  	s7 =	sld [smem:$0x3F9A]  }
0x1a: {  	s8 =	sadd.s32 $0xFFFFE003, lr  }
0x1b: {  	s9 =	sadd.s32 $0xFFFFFEF7, lr;
	s5 =	simm.s32 $0xFFFFFFFF;
	p2 =	slt.u32 s8, $0xFFFFF086  }
0x1c: {  	p1 =	slt.u32 s9, $0xF7A;
	s5 =	simm.s32 @!p2 $0x0  }
0x1d: {  	s5 =	simm.s32 @p1 $0x1;
	p0 =	seq.s32 s7, s2  }
0x1e: {  	s7 =	smul.u32 @!p0 $0xF7A, s2;
	p2 =	seq.s32 @!p0 s5, $0x0  }
0x1f: {  	s9 =	smul.u32 $0xF7A, s1;
	s8 =	simm.s32 @!p0 $0x1BF5;
	p2 =	por !p2, p0  }
0x20: {  	[sflag:s8] =	ssyncset.s32 @!p0 $0xFFFFF086;
	s6 =	sadd.s32 @!p0 s3, s7;
	s7 =	simm.s32 @!p0 $0x108  }
0x21: {  	s3 =	sadd.s32 s3, s9;
	s6 =	sadd.s32 @!p0 $0x88, s6;
	s7 =	simm.s32 @p2 $0x1082  }
0x22: {  	[simem:s7], [sflag:s8] =	dma.local @!p0 [hbm:s6], $0xF7A  }
0x23: {  	s9 =	sor.u32 $0xD0000000, s2;
	s6 =	simm.s32 $0x108;
	_ =	swait.ge @!p0 [sflag:s8], $0x0  }
0x24: {  	s3 =	sadd.s32 $0x88, s3;
	s6 =	simm.s32 @!p1 $0x1082;
	[sflag:s4] =	ssyncset.s32 $0xFFFFF086  }
0x25: {  	[simem:s6], [sflag:s4] =	dma.local [hbm:s3], $0xF7A  }
0x26: {  	[smem:$0x3F9A] =	sst s1;
	(tag) =	ssettag s2;
	_ =	strace s9  }
0x27: {  	s1 =	sld [smem:$0x3FAA]  }
0x28: {  	s2 =	sld [smem:$0x3FAB]  }
0x29: {  	s4 =	sld [smem:$0x3FAD]  }
0x2a: {  	p0 =	seq.s32 s5, $0x0;
	s5 =	sld [smem:$0x3FAE]  }
0x2b: {  	s6 =	sld [smem:$0x3FAF]  }
0x2c: {  	s7 =	sld [smem:$0x3FB0]  }
0x2d: {  	s3 =	simm.s32 $0x108;
	s8 =	sld [smem:$0x3FB1]  }
0x2e: {  	s3 =	simm.s32 @!p0 $0x1082;
	s9 =	sld [smem:$0x3FB2]  }
0x2f: {  	lr =	sadd.s32 s0, s3;
	s0 =	sld [smem:$0x3FA9]  }
0x30: {  	s3 =	sld [smem:$0x3FAC]  }
0x31: {  	[smem:$0x3FB5] =	sst s10  }
0x32: {  	s10 =	sld [smem:$0x3FB3];
	_ =	sdelay $0x3  }
0x33: {  	p0 =	seq.s32 s10, $0x1;
	s10 =	sld [smem:$0x3FB5];
	_ =	sdelay $0x3  }
0x34: {  	[smem:$0x3FB5] =	sst s10  }
0x35: {  	s10 =	sld [smem:$0x3FB4];
	_ =	sdelay $0x3  }
0x36: {  	p1 =	seq.s32 s10, $0x1;
	s10 =	sld [smem:$0x3FB5];
	_ =	sdelay $0x3  }
0x37: {  	[smem:$0x3FB5] =	sst s10  }
0x38: {  	s10 =	sld [smem:$0x3FB6]  }
0x39: {  	_ = 	snop;
	(pc) =	sbr.ind lr, $3  }
0x3a: {  	_ = 	snop  }
0x3b: {  	_ = 	snop  }
0x3c: {  	p2 =	seq.s32 s10, $0x1;
	s10 =	sld [smem:$0x3FB5]  }
0x3d: {  	_ =	shalt  }
0x3e: {  	_ =	shalt  }
0x3f: {  	_ =	shalt  }
0x40: {  	_ =	shalt  }
0x41: {  	_ =	shalt  }
0x42: {  	_ =	shalt  }
0x43: {  	_ =	shalt  }
0x44: {  	_ =	shalt  }
0x45: {  	_ =	shalt  }
0x46: {  	_ =	shalt  }
0x47: {  	_ =	shalt  }
0x48: {  	_ =	shalt  }
0x49: {  	_ =	shalt  }
0x4a: {  	_ =	shalt  }
0x4b: {  	_ =	shalt  }
0x4c: {  	_ =	shalt  }
0x4d: {  	_ =	shalt  }
0x4e: {  	_ =	shalt  }
0x4f: {  	_ =	shalt  }
0x50: {  	_ =	shalt  }
0x51: {  	_ =	shalt  }
0x52: {  	_ =	shalt  }
0x53: {  	_ =	shalt  }
0x54: {  	_ =	shalt  }
0x55: {  	_ =	shalt  }
0x56: {  	_ =	shalt  }
0x57: {  	_ =	shalt  }
0x58: {  	_ =	shalt  }
0x59: {  	_ =	shalt  }
0x5a: {  	_ =	shalt  }
0x5b: {  	_ =	shalt  }
0x5c: {  	_ =	shalt  }
0x5d: {  	_ =	shalt  }
0x5e: {  	_ =	shalt  }
0x5f: {  	_ =	shalt  }
0x60: {  	_ =	shalt  }
0x61: {  	_ =	shalt  }
0x62: {  	_ =	shalt  }
0x63: {  	_ =	shalt  }
0x64: {  	_ =	shalt  }
0x65: {  	_ =	shalt  }
0x66: {  	_ =	shalt  }
0x67: {  	_ =	shalt  }
0x68: {  	_ =	shalt  }
0x69: {  	_ =	shalt  }
0x6a: {  	_ =	shalt  }
0x6b: {  	_ =	shalt  }
0x6c: {  	_ =	shalt  }
0x6d: {  	_ =	shalt  }
0x6e: {  	_ =	shalt  }
0x6f: {  	_ =	shalt  }
0x70: {  	_ =	shalt  }
0x71: {  	_ =	shalt  }
0x72: {  	_ =	shalt  }
0x73: {  	_ =	shalt  }
0x74: {  	_ =	shalt  }
0x75: {  	_ =	shalt  }
0x76: {  	_ =	shalt  }
0x77: {  	_ =	shalt  }
0x78: {  	_ =	shalt  }
0x79: {  	_ =	shalt  }
0x7a: {  	_ =	shalt  }
0x7b: {  	_ =	shalt  }
0x7c: {  	_ =	shalt  }
0x7d: {  	_ =	shalt  }
0x7e: {  	_ =	shalt  }
0x7f: {  	_ =	shalt  }
0x80: {  	_ =	shalt  }
0x81: {  	_ =	shalt  }
0x82: {  	_ =	shalt  }
0x83: {  	_ =	shalt  }
0x84: {  	_ =	shalt  }
0x85: {  	_ =	shalt  }
0x86: {  	_ =	shalt  }
0x87: {  	_ =	shalt  }
.Lfunc_end0:
.L_simem_size_0:
called_computation_lowered:
.L_overlay_start_0:
0x88: {  	s2 =	sld [smem:$0x3FD9]  }
0x89: {  	s3 =	sld [smem:$0x3FFE];
	_ =	sdelay $0x1  }
0x8a: {  	s1 =	srdreg.scid  }
0x8b: {  	s0 =	sand.u32 $0x1, s1  }
0x8c: {  	s17 =	sshll.u32 s0, $0xA;
	s2 =	sadd.s32 s3, s2  }
0x8d: {  	s2 =	sadd.s32 s2, s17  }
0x8e: {  	[smem:$0x3FC1] =	sst s2  }
0x8f: {  	_ = 	snop  }
0x90: {  	s2 =	sld [smem:$0x3FD0];
	(tm) =	ssettm $0x1  }
0x91: {  	s18 =	sld [smem:$0x3FFB];
	_ =	sdelay $0x3  }
0x92: {  	_ =	strace s18  }
0x93: {  	s3 =	sld [smem:$0x3FFC];
	_ =	sdelay $0x3  }
0x94: {  	_ =	strace s3  }
0x95: {  	s3 =	sld [smem:$0x3FFD];
	_ =	sdelay $0x3  }
0x96: {  	_ =	strace s3  }
0x97: {  	_ =	strace $0x8FFFFFFF  }
0x98: {  	s19 =	sld [smem:$0x3FDB];
	_ =	sdelay $0x1  }
0x99: {  	s4 =	simm.s32 $_scs_section_size  }
0x9a: {  	s5 =	simm.s32 $_size__tile_overlayer_lowered;
	s6 =	simm.s32 $_tile_overlayer_lowered  }
0x9b: {  	s22 =	simm.s32 $0x1BFF;
	s21 =	sshll.u32 s6, $0x1;
	s3 =	sadd.s32 s4, s19  }
0x9c: {  	s7 =	simm.s32 $0x0;
	s20 =	sshll.u32 s5, $0x1;
	s5 =	sadd.s32 s21, s3  }
0x9d: {  	[timem:s7], [sflag:s22] =	dma.local [hbm:s5], s20  }
0x9e: {  	_ =	swait.ge [sflag:s22], s20  }
0x9f: {  	s4 =	ssub.s32 $0x0, s20;
	[sflag:s22] =	ssyncset.done $0x0  }
0xa0: {  	[sflag:s22] =	ssyncadd.s32 s4;
	_ =	sdelay $0x1  }
0xa1: {  	s23 =	simm.s32 $0x1B8B  }
0xa2: {  	_ =	swait.ge [sflag:s23], $0x1  }
0xa3: {  	[sflag:s23] =	ssyncset.done $0x0  }
0xa4: {  	s25 =	simm.s32 $0x1B8E;
	s24 =	sld [smem:$0x3FFE];
	[sflag:s23] =	ssyncadd.s32 $0xFFFFFFFF  }
0xa5: {  	s26 =	simm.s32 $execute0_lowered;
	[smem:$0x3FD2] =	sst s25  }
0xa6: {  	s5 =	sshll.u32 s26, $0x1;
	_ =	strace $0x80000046;
	[dreg:$0x1] =	wrdreg $0xFFFFFFFF  }
0xa7: {  	s28 =	simm.s32 $_size_execute0_lowered;
	s3 =	sadd.s32 s3, s5;
	[dreg:$0x0] =	wrdreg $0x0  }
0xa8: {  	s5 =	sshll.u32 s28, $0x1;
	[dreg:$0x2] =	wrdreg s3  }
0xa9: {  	[dreg:$0x3] =	wrdreg s5  }
0xaa: {  	[dreg:$0x4] =	wrdreg $0xC0  }
0xab: {  	_ =	task [dreg:s7], $0x5FFFF  }
0xac: {  	[dreg:$0x1] =	wrdreg $0xFFFFFFFF  }
0xad: {  	[dreg:$0x0] =	wrdreg $0x60  }
0xae: {  	[dreg:$0x2] =	wrdreg s2  }
0xaf: {  	[dreg:$0x3] =	wrdreg s24  }
0xb0: {  	[dreg:$0x4] =	wrdreg $0x50800  }
0xb1: {  	[dreg:$0x5] =	wrdreg $0x9  }
0xb2: {  	_ =	task.clear_ibuf [dreg:s7], $0x6FFFF;
	_ =	strace $0x90000046  }
0xb3: {  	s29 =	simm.s32 $0x9;
	_ =	strace $0x80000048  }
0xb4: {  	_ =	swait.ge [sflag:s29], $0x1  }
0xb5: {  	[sflag:s29] =	ssyncadd.s32 $0xFFFFFFFF  }
0xb6: {  	_ =	strace $0x90000048  }
0xb7: {  	_ =	sfence  }
0xb8: {  	s30 =	sld [smem:$0x0];
	_ =	sdelay $0x2  }
0xb9: {  	s31 =	sshll.u32 s1, $0xD;
	s1 =	sshrl.u32 s1, $0x2  }
0xba: {  	s3 =	sand.u32 $0x4000, s31;
	s1 =	sadd.s32 s1, s30  }
0xbb: {  	s0 =	sor.u32 s3, s0;
	s1 =	sshll.u32 s1, $0x11  }
0xbc: {  	s0 =	sor.u32 s1, s0  }
0xbd: {  	s0 =	sadd.s32 $0x8F2B, s0  }
0xbe: {  	[sflag:s0] =	ssyncadd.remote.s32 $0x1  }
0xbf: {  	_ =	sfence.sel $0xFFFF  }
0xc0: {  	[dreg:$0x0] =	wrdreg $0xFFFFFFFF;
	(pc) =	sbr.abs _section_cstart, $3  }
0xc1: {  	[dreg:$0x1] =	wrdreg $0xFFFFFFFF  }
0xc2: {  	_ =	task.clear_ibuf [dreg:s7], $0x2FFFF;
	_ =	strace $0x9FFFFFFF  }
0xc3: {  	(tm) =	ssettm $0x7FFFFFFF  }
tec
execute0_lowered:
.L_overlay_start_1:
0x0: {  	(tag) =	ssettag $0x1  }
0x1: {  	s1 =	rddreg [dreg:$0x0]  }
0x2: {  	s0 =	rddreg [dreg:$0x1]  }
0x3: {  	s2 =	rddreg [dreg:$0x2];
	s3 =	simm.s32 $0x0;
	s13 =	srdreg.scid  }
0x4: {  	s5 =	stileid.u32;
	s28 =	simm.s32 $0x1080;
	s29 =	simm.s32 $0x2  }
0x5: {  	s30 =	simm.s32 $0x10;
	s31 =	simm.s32 $0x80;
	[smem:$0x7FF] =	sst s3  }
0x6: {  	s4 =	sadd.s32 $0xB200, s0;
	s6 =	sadd.s32 $0x1200, s0;
	s9 =	smul.u32 $0x50000, s5  }
0x7: {  	s7 =	sadd.s32 $0x15200, s0;
	s0 =	sadd.s32 $0x65200, s0;
	s11 =	smul.u32 $0x280, s5  }
0x8: {  	_ =	strace $0x80000047;
	[dreg:$0x4] =	wrdreg s4;
	s4 =	sand.u32 $0x1, s13  }
0x9: {  	s12 =	sshll.u32 s5, $0x1;
	s8 =	ssub.s32 $0x2, s4;
	s9 =	sshrl.u32 s9, $0x2  }
0xa: {  	s13 =	smul.u32 $0x2800, s4;
	s4 =	sor.u32 s4, s12;
	s15 =	sadd.s32 $0x80, s11  }
0xb: {  	s20 =	sadd.s32 $0x100, s11;
	s10 =	sshrl.u32 s8, $0x1;
	s23 =	sadd.s32 s9, s2  }
0xc: {  	s21 =	smul.u32 $0x50, s4;
	s9 =	sshll.u32 s15, $0x7;
	s8 =	ssub.s32 s8, s10  }
0xd: {  	s14 =	sadd.s32 s13, s11;
	s17 =	sadd.s32 s13, s15;
	s26 =	sadd.s32 $0x4000, s23  }
0xe: {  	s22 =	sadd.s32 s13, s20;
	s10 =	simm.s32 $0x980;
	[dreg:$0x5] =	wrdreg s23  }
0xf: {  	s16 =	smax.u32 s8, $0x1;
	s4 =	sshll.u32 s14, $0x4;
	s8 =	sshll.u32 s17, $0x4  }
0x10: {  	s14 =	sadd.s32 $0x180, s11;
	s11 =	sadd.s32 $0x200, s11;
	[dreg:$0x7] =	wrdreg s26  }
0x11: {  	s12 =	sshll.u32 s22, $0x4;
	s17 =	sadd.s32 s9, s2;
	[dreg:$0x6] =	wrdreg s16  }
0x12: {  	v0 =	vlaneseq.u32;
	s9 =	simm.s32 $0xE80;
	s18 =	sadd.s32 s7, s4;
	[dreg:$0x13] =	wrdreg s17  }
0x13: {  	v0 =	vor.u32 s21, v0;
	s21 =	simm.s32 $0xF80;
	s19 =	sadd.s32 s7, s8;
	[dreg:$0x8] =	wrdreg s18  }
0x14: {  	s15 =	sadd.s32 s13, s14;
	s24 =	sadd.s32 s7, s12;
	[dreg:$0x9] =	wrdreg s19  }
0x15: {  	s13 =	sadd.s32 s13, s11;
	s4 =	sadd.s32 s0, s4;
	[dreg:$0xa] =	wrdreg s24  }
0x16: {  	s8 =	sadd.s32 s0, s8;
	s12 =	sadd.s32 s0, s12;
	[dreg:$0xd] =	wrdreg s4  }
0x17: {  	s16 =	sadd.s32 $0x8000, s23;
	s17 =	simm.s32 $0xD00;
	[dreg:$0xe] =	wrdreg s8  }
0x18: {  	s15 =	sshll.u32 s15, $0x4;
	s13 =	sshll.u32 s13, $0x4;
	[dreg:$0xf] =	wrdreg s12  }
0x19: {  	[dreg:$0x12] =	wrdreg s16;
	s18 =	sshll.u32 s20, $0x7;
	s19 =	sshll.u32 s14, $0x7  }
0x1a: {  	s20 =	sshll.u32 s11, $0x7;
	s4 =	simm.s32 $0x880;
	s8 =	simm.s32 $0x900  }
0x1b: {  	s11 =	simm.s32 $0xA00;
	s12 =	simm.s32 $0xA80;
	s25 =	sadd.s32 s7, s15  }
0x1c: {  	s14 =	simm.s32 $0xB80;
	s7 =	sadd.s32 s7, s13;
	[dreg:$0xb] =	wrdreg s25  }
0x1d: {  	s16 =	simm.s32 $0xC80;
	s15 =	sadd.s32 s0, s15;
	[dreg:$0xc] =	wrdreg s7  }
0x1e: {  	s0 =	sadd.s32 s0, s13;
	s22 =	sadd.s32 s19, s2;
	[dreg:$0x10] =	wrdreg s15  }
0x1f: {  	s24 =	sadd.s32 s20, s2;
	s13 =	simm.s32 $0xB00;
	[dreg:$0x11] =	wrdreg s0  }
0x20: {  	s19 =	simm.s32 $0xE00;
	s20 =	simm.s32 $0xF00;
	[dreg:$0x15] =	wrdreg s22  }
0x21: {  	s0 =	sadd.s32 s18, s2;
	[dreg:$0x16] =	wrdreg s24;
	s7 =	sadd.s32 $0xC000, s23  }
0x22: {  	s25 =	sadd.s32 $0x10000, s23;
	s15 =	simm.s32 $0xC00;
	[dreg:$0x14] =	wrdreg s0  }
0x23: {  	s18 =	simm.s32 $0xD80;
	s22 =	simm.s32 $0x1000;
	[dreg:$0x18] =	wrdreg s25  }
0x24: {  	v1 =	vimm.f32 $0.0e+00;
	v2 =	vimm.f32 $1.000000000e+00;
	s24 =	simm.s32 $0x0;
	s0 =	simm.s32 $0x1;
	[dreg:$0x17] =	wrdreg s7  }
.LBB2_1:
0x25: {  	[dreg:$0x19] =	wrdreg s24;
	s24 =	simm.s32 $0x0;
	s25 =	simm.s32 $0x200  }
.LBB2_2:
0x26: {  	p0 =	sne.s32 s25, $0xFE00;
	[tilespmem:s24+$0x10F0] =	vst v1  }
0x27: {  	[tilespmem:s24+$0x1080] =	vst v1  }
0x28: {  	[tilespmem:s24+$0x1090] =	vst v1  }
.Ltmp0:
0x29: {  	[tilespmem:s24+$0x10A0] =	vst v1;
	(pc) =	sbr.rel @p0 .LBB2_2-.Ltmp0, $4  }
0x2a: {  	[tilespmem:s24+$0x10B0] =	vst v1  }
0x2b: {  	[tilespmem:s24+$0x10C0] =	vst v1  }
0x2c: {  	[tilespmem:s24+$0x10D0] =	vst v1  }
0x2d: {  	[tilespmem:s24+$0x10E0] =	vst v1;
	s24 =	sshra.s32 s25, $0x2;
	s25 =	sadd.s32 $0x200, s25  }
0x2e: {  	[tilespmem:s24+$0x10F0] =	vst v1  }
0x2f: {  	[tilespmem:s24+$0x1080] =	vst v1  }
0x30: {  	[tilespmem:s24+$0x1090] =	vst v1  }
0x31: {  	[tilespmem:s24+$0x10A0] =	vst v1  }
0x32: {  	[tilespmem:s24+$0x10B0] =	vst v1  }
0x33: {  	[tilespmem:s24+$0x10C0] =	vst v1  }
0x34: {  	[tilespmem:s24+$0x10D0] =	vst v1  }
0x35: {  	[tilespmem:s24+$0x10E0] =	vst v1  }
0x36: {  	[spmem:s23] =	stream.linear.scatter [tilespmem:s28], [sflag:$0x2], $0x4000, $0x38;
	[tilespmem:$0x19080] =	vst v63  }
0x37: {  	_ =	swait.ge [sflag:s29], $0x4000  }
0x38: {  	[sflag:s29] =	ssyncset.done $0x0  }
0x39: {  	[sflag:s29] =	ssyncadd.s32 $0xFFFFC000  }
0x3a: {  	[spmem:s26] =	stream.linear.scatter [tilespmem:s28], [sflag:$0x2], $0x4000, $0x38;
	[tilespmem:$0x19080] =	vst v63  }
0x3b: {  	_ =	swait.ge [sflag:s29], $0x4000  }
0x3c: {  	[sflag:s29] =	ssyncset.done $0x0  }
0x3d: {  	s5 =	rddreg [dreg:$0x12];
	[sflag:s29] =	ssyncadd.s32 $0xFFFFC000  }
0x3e: {  	[spmem:s5] =	stream.linear.scatter [tilespmem:s28], [sflag:$0x2], $0x4000, $0x38;
	[tilespmem:$0x19080] =	vst v63  }
0x3f: {  	_ =	swait.ge [sflag:s29], $0x4000  }
0x40: {  	[sflag:s29] =	ssyncset.done $0x0  }
0x41: {  	[sflag:s29] =	ssyncadd.s32 $0xFFFFC000  }
0x42: {  	[spmem:s7] =	stream.linear.scatter [tilespmem:s28], [sflag:$0x2], $0x4000, $0x38;
	[tilespmem:$0x19080] =	vst v63  }
0x43: {  	_ =	swait.ge [sflag:s29], $0x4000  }
0x44: {  	[sflag:s29] =	ssyncset.done $0x0  }
0x45: {  	s26 =	rddreg [dreg:$0x18];
	[sflag:s29] =	ssyncadd.s32 $0xFFFFC000  }
0x46: {  	[spmem:s26] =	stream.linear.scatter [tilespmem:s28], [sflag:$0x2], $0x4000, $0x38;
	[tilespmem:$0x19080] =	vst v63  }
0x47: {  	_ =	swait.ge [sflag:s29], $0x4000  }
0x48: {  	[sflag:s29] =	ssyncset.done $0x0  }
0x49: {  	[sflag:s29] =	ssyncadd.s32 $0xFFFFC000  }
0x4a: {  	s25 =	simm.s32 $0x0;
	[bflag:$0x0] =	sbarrier.arrive $0xFFFF  }
.LBB2_4:
0x4b: {  	s7 =	sshll.u32 s25, $0x4  }
0x4c: {  	v3 =	vadd.s32 s7, v0  }
0x4d: {  	s5 =	rddreg [dreg:$0x4];
	s23 =	simm.s32 $0x0;
	[tilespmem:$0x0] =	vst v3  }
0x4e: {  	[tilespmem:s31], [sflag:$0x1] =	stream.indirect.gather [hbm4b:s5+s30], $0x80, s23, s30, $0xb8;
	[tilespmem:$0x19080] =	vst v63  }
0x4f: {  	_ =	swait.ge [sflag:s0], $0x800  }
0x50: {  	[sflag:s0] =	ssyncset.done $0x0  }
0x51: {  	[sflag:s0] =	ssyncadd.s32 $0xFFFFF800  }
0x52: {  	[tilespmem:s4], [sflag:$0x1] =	stream.indirect.gather [hbm4b:s6+s30], $0x80, s23, s30, $0xb8;
	[tilespmem:$0x19080] =	vst v63  }
0x53: {  	_ =	swait.ge [sflag:s0], $0x800  }
0x54: {  	[sflag:s0] =	ssyncset.done $0x0  }
0x55: {  	s24 =	simm.s32 $0x80;
	[sflag:s0] =	ssyncadd.s32 $0xFFFFF800  }
0x56: {  	[tilespmem:s28], [sflag:$0x1] =	stream.indirect.gather [hbm4b:s1+s31], $0x80, s24, s31, $0xb8;
	[tilespmem:$0x19080] =	vst v63  }
0x57: {  	_ =	swait.ge [sflag:s0], $0x4000  }
0x58: {  	[sflag:s0] =	ssyncset.done $0x0  }
0x59: {  	s26 =	simm.s32 $0x880;
	[sflag:s0] =	ssyncadd.s32 $0xFFFFC000  }
0x5a: {  	[spmem:s2] =	stream.indirect.scatter.add.f32 [tilespmem:s28], [sflag:$0x2], $0x80, s26, s31, $0xb8;
	[tilespmem:$0x19080] =	vst v63  }
0x5b: {  	_ =	swait.ge [sflag:s29], $0x4000  }
0x5c: {  	s7 =	simm.s32 $0x400;
	s26 =	simm.s32 $0x80;
	[sflag:s29] =	ssyncset.done $0x0  }
.LBB2_5:
0x5d: {  	s23 =	sadd.s32 $0x80, s26  }
0x5e: {  	[sflag:s29] =	ssyncadd.s32 $0xFFFFC000;
	s5 =	smov.u32 s7;
	s24 =	sadd.s32 $0x200, s7  }
0x5f: {  	[tilespmem:s28], [sflag:$0x1] =	stream.indirect.gather [hbm4b:s1+s31], $0x80, s23, s31, $0xb8;
	[tilespmem:$0x19080] =	vst v63  }
0x60: {  	p0 =	sne.s32 s7, $0x1E00;
	_ =	swait.ge [sflag:s0], $0x4000  }
.Ltmp1:
0x61: {  	[sflag:s0] =	ssyncset.done $0x0;
	(pc) =	sbr.rel @p0 .LBB2_5-.Ltmp1, $4  }
0x62: {  	s7 =	sadd.s32 $0x880, s26;
	[sflag:s0] =	ssyncadd.s32 $0xFFFFC000  }
0x63: {  	[spmem:s2] =	stream.indirect.scatter.add.f32 [tilespmem:s28], [sflag:$0x2], $0x80, s7, s31, $0xb8;
	[tilespmem:$0x19080] =	vst v63  }
0x64: {  	_ =	swait.ge [sflag:s29], $0x4000  }
0x65: {  	s26 =	sshra.s32 s5, $0x2;
	s7 =	smov.u32 s24;
	[sflag:s29] =	ssyncset.done $0x0  }
0x66: {  	s5 =	sadd.s32 $0x80, s26;
	[sflag:s29] =	ssyncadd.s32 $0xFFFFC000  }
0x67: {  	[tilespmem:s28], [sflag:$0x1] =	stream.indirect.gather [hbm4b:s1+s31], $0x80, s5, s31, $0xb8;
	[tilespmem:$0x19080] =	vst v63  }
0x68: {  	s25 =	sadd.s32 $0x1, s25;
	_ =	swait.ge [sflag:s0], $0x4000  }
0x69: {  	p0 =	sne.s32 s25, $0x5;
	[sflag:s0] =	ssyncset.done $0x0  }
.Ltmp2:
0x6a: {  	s26 =	sadd.s32 $0x880, s26;
	[sflag:s0] =	ssyncadd.s32 $0xFFFFC000;
	(pc) =	sbr.rel @p0 .LBB2_4-.Ltmp2, $4  }
0x6b: {  	[spmem:s2] =	stream.indirect.scatter.add.f32 [tilespmem:s28], [sflag:$0x2], $0x80, s26, s31, $0xb8;
	[tilespmem:$0x19080] =	vst v63  }
0x6c: {  	_ =	swait.ge [sflag:s29], $0x4000  }
0x6d: {  	[sflag:s29] =	ssyncset.done $0x0  }
0x6e: {  	[sflag:s29] =	ssyncadd.s32 $0xFFFFC000  }
0x6f: {  	[bflag:$0x0] =	sbarrier.arrive $0xFFFF  }
0x70: {  	s23 =	rddreg [dreg:$0x5]  }
0x71: {  	[tilespmem:s28], [sflag:$0x2] =	stream.linear.gather [spmem:s23], $0x4000, $0x38;
	[tilespmem:$0x19080] =	vst v63  }
0x72: {  	_ =	swait.ge [sflag:s29], $0x4000  }
0x73: {  	[sflag:s29] =	ssyncset.done $0x0  }
0x74: {  	s5 =	simm.s32 $0x0;
	s7 =	rddreg [dreg:$0x8];
	[sflag:s29] =	ssyncadd.s32 $0xFFFFC000  }
0x75: {  	[hbm4b:s7+s5] =	stream.linear.scatter [tilespmem:s28], [sflag:$0x2], $0x4000, $0x38;
	[tilespmem:$0x19080] =	vst v63  }
0x76: {  	_ =	swait.ge [sflag:s29], $0x4000  }
0x77: {  	[sflag:s29] =	ssyncset.done $0x0  }
0x78: {  	s25 =	rddreg [dreg:$0x13];
	[sflag:s29] =	ssyncadd.s32 $0xFFFFC000  }
0x79: {  	[tilespmem:s28], [sflag:$0x2] =	stream.linear.gather [spmem:s25], $0x4000, $0x38;
	[tilespmem:$0x19080] =	vst v63  }
0x7a: {  	_ =	swait.ge [sflag:s29], $0x4000  }
0x7b: {  	[sflag:s29] =	ssyncset.done $0x0  }
0x7c: {  	s26 =	rddreg [dreg:$0x9];
	[sflag:s29] =	ssyncadd.s32 $0xFFFFC000  }
0x7d: {  	[hbm4b:s26+s5] =	stream.linear.scatter [tilespmem:s28], [sflag:$0x2], $0x4000, $0x38;
	[tilespmem:$0x19080] =	vst v63  }
0x7e: {  	_ =	swait.ge [sflag:s29], $0x4000  }
0x7f: {  	[sflag:s29] =	ssyncset.done $0x0  }
0x80: {  	s24 =	rddreg [dreg:$0x14];
	[sflag:s29] =	ssyncadd.s32 $0xFFFFC000  }
0x81: {  	[tilespmem:s28], [sflag:$0x2] =	stream.linear.gather [spmem:s24], $0x4000, $0x38;
	[tilespmem:$0x19080] =	vst v63  }
0x82: {  	_ =	swait.ge [sflag:s29], $0x4000  }
0x83: {  	[sflag:s29] =	ssyncset.done $0x0  }
0x84: {  	s25 =	rddreg [dreg:$0xa];
	[sflag:s29] =	ssyncadd.s32 $0xFFFFC000  }
0x85: {  	[hbm4b:s25+s5] =	stream.linear.scatter [tilespmem:s28], [sflag:$0x2], $0x4000, $0x38;
	[tilespmem:$0x19080] =	vst v63  }
0x86: {  	_ =	swait.ge [sflag:s29], $0x4000  }
0x87: {  	[sflag:s29] =	ssyncset.done $0x0  }
0x88: {  	s26 =	rddreg [dreg:$0x15];
	[sflag:s29] =	ssyncadd.s32 $0xFFFFC000  }
0x89: {  	[tilespmem:s28], [sflag:$0x2] =	stream.linear.gather [spmem:s26], $0x4000, $0x38;
	[tilespmem:$0x19080] =	vst v63  }
0x8a: {  	_ =	swait.ge [sflag:s29], $0x4000  }
0x8b: {  	[sflag:s29] =	ssyncset.done $0x0  }
0x8c: {  	s24 =	rddreg [dreg:$0xb];
	[sflag:s29] =	ssyncadd.s32 $0xFFFFC000  }
0x8d: {  	[hbm4b:s24+s5] =	stream.linear.scatter [tilespmem:s28], [sflag:$0x2], $0x4000, $0x38;
	[tilespmem:$0x19080] =	vst v63  }
0x8e: {  	_ =	swait.ge [sflag:s29], $0x4000  }
0x8f: {  	[sflag:s29] =	ssyncset.done $0x0  }
0x90: {  	s25 =	rddreg [dreg:$0x16];
	[sflag:s29] =	ssyncadd.s32 $0xFFFFC000  }
0x91: {  	[tilespmem:s28], [sflag:$0x2] =	stream.linear.gather [spmem:s25], $0x4000, $0x38;
	[tilespmem:$0x19080] =	vst v63  }
0x92: {  	_ =	swait.ge [sflag:s29], $0x4000  }
0x93: {  	[sflag:s29] =	ssyncset.done $0x0  }
0x94: {  	s26 =	rddreg [dreg:$0xc];
	[sflag:s29] =	ssyncadd.s32 $0xFFFFC000  }
0x95: {  	[hbm4b:s26+s5] =	stream.linear.scatter [tilespmem:s28], [sflag:$0x2], $0x4000, $0x38;
	[tilespmem:$0x19080] =	vst v63  }
0x96: {  	_ =	swait.ge [sflag:s29], $0x4000  }
0x97: {  	[sflag:s29] =	ssyncset.done $0x0  }
0x98: {  	s24 =	simm.s32 $0x0;
	s25 =	simm.s32 $0x200;
	[sflag:s29] =	ssyncadd.s32 $0xFFFFC000  }
.LBB2_8:
0x99: {  	p0 =	seq.s32 s25, $0xFE00;
	[tilespmem:s24+$0x10F0] =	vst v1  }
0x9a: {  	[tilespmem:s24+$0x1080] =	vst v1  }
0x9b: {  	[tilespmem:s24+$0x1090] =	vst v1  }
.Ltmp3:
0x9c: {  	[tilespmem:s24+$0x10A0] =	vst v1;
	(pc) =	sbr.rel @!p0 .LBB2_8-.Ltmp3, $4  }
0x9d: {  	[tilespmem:s24+$0x10B0] =	vst v1  }
0x9e: {  	[tilespmem:s24+$0x10C0] =	vst v1  }
0x9f: {  	[tilespmem:s24+$0x10D0] =	vst v1  }
0xa0: {  	[tilespmem:s24+$0x10E0] =	vst v1;
	s24 =	sshra.s32 s25, $0x2;
	s25 =	sadd.s32 $0x200, s25  }
0xa1: {  	[tilespmem:s24+$0x10F0] =	vst v1  }
0xa2: {  	[tilespmem:s24+$0x1080] =	vst v1  }
0xa3: {  	[tilespmem:s24+$0x1090] =	vst v1  }
0xa4: {  	[tilespmem:s24+$0x10A0] =	vst v1  }
0xa5: {  	[tilespmem:s24+$0x10B0] =	vst v1  }
0xa6: {  	[tilespmem:s24+$0x10C0] =	vst v1  }
0xa7: {  	[tilespmem:s24+$0x10D0] =	vst v1  }
0xa8: {  	[tilespmem:s24+$0x10E0] =	vst v1;
	s26 =	rddreg [dreg:$0x7]  }
0xa9: {  	[spmem:s23] =	stream.linear.scatter [tilespmem:s28], [sflag:$0x2], $0x4000, $0x38;
	[tilespmem:$0x19080] =	vst v63  }
0xaa: {  	s7 =	rddreg [dreg:$0x17];
	_ =	swait.ge [sflag:s29], $0x4000  }
0xab: {  	[sflag:s29] =	ssyncset.done $0x0  }
0xac: {  	[sflag:s29] =	ssyncadd.s32 $0xFFFFC000  }
0xad: {  	[spmem:s26] =	stream.linear.scatter [tilespmem:s28], [sflag:$0x2], $0x4000, $0x38;
	[tilespmem:$0x19080] =	vst v63  }
0xae: {  	_ =	swait.ge [sflag:s29], $0x4000  }
0xaf: {  	[sflag:s29] =	ssyncset.done $0x0  }
0xb0: {  	s5 =	rddreg [dreg:$0x12];
	[sflag:s29] =	ssyncadd.s32 $0xFFFFC000  }
0xb1: {  	[spmem:s5] =	stream.linear.scatter [tilespmem:s28], [sflag:$0x2], $0x4000, $0x38;
	[tilespmem:$0x19080] =	vst v63  }
0xb2: {  	_ =	swait.ge [sflag:s29], $0x4000  }
0xb3: {  	[sflag:s29] =	ssyncset.done $0x0  }
0xb4: {  	[sflag:s29] =	ssyncadd.s32 $0xFFFFC000  }
0xb5: {  	[spmem:s7] =	stream.linear.scatter [tilespmem:s28], [sflag:$0x2], $0x4000, $0x38;
	[tilespmem:$0x19080] =	vst v63  }
0xb6: {  	_ =	swait.ge [sflag:s29], $0x4000  }
0xb7: {  	[sflag:s29] =	ssyncset.done $0x0  }
0xb8: {  	s25 =	rddreg [dreg:$0x18];
	[sflag:s29] =	ssyncadd.s32 $0xFFFFC000  }
0xb9: {  	[spmem:s25] =	stream.linear.scatter [tilespmem:s28], [sflag:$0x2], $0x4000, $0x38;
	[tilespmem:$0x19080] =	vst v63  }
0xba: {  	_ =	swait.ge [sflag:s29], $0x4000  }
0xbb: {  	[sflag:s29] =	ssyncset.done $0x0  }
0xbc: {  	s24 =	simm.s32 $0x0;
	s25 =	simm.s32 $0x200;
	[sflag:s29] =	ssyncadd.s32 $0xFFFFC000  }
.LBB2_10:
0xbd: {  	p0 =	sne.s32 s25, $0xFE00;
	[tilespmem:s24+$0x10F0] =	vst v2  }
0xbe: {  	[tilespmem:s24+$0x1080] =	vst v2  }
0xbf: {  	[tilespmem:s24+$0x1090] =	vst v2  }
.Ltmp4:
0xc0: {  	[tilespmem:s24+$0x10A0] =	vst v2;
	(pc) =	sbr.rel @p0 .LBB2_10-.Ltmp4, $4  }
0xc1: {  	[tilespmem:s24+$0x10B0] =	vst v2  }
0xc2: {  	[tilespmem:s24+$0x10C0] =	vst v2  }
0xc3: {  	[tilespmem:s24+$0x10D0] =	vst v2  }
0xc4: {  	[tilespmem:s24+$0x10E0] =	vst v2;
	s24 =	sshra.s32 s25, $0x2;
	s25 =	sadd.s32 $0x200, s25  }
0xc5: {  	[tilespmem:s24+$0x10F0] =	vst v2  }
0xc6: {  	[tilespmem:s24+$0x1080] =	vst v2  }
0xc7: {  	[tilespmem:s24+$0x1090] =	vst v2  }
0xc8: {  	[tilespmem:s24+$0x10A0] =	vst v2  }
0xc9: {  	[tilespmem:s24+$0x10B0] =	vst v2  }
0xca: {  	[tilespmem:s24+$0x10C0] =	vst v2  }
0xcb: {  	[tilespmem:s24+$0x10D0] =	vst v2  }
0xcc: {  	[tilespmem:s24+$0x10E0] =	vst v2;
	s5 =	simm.s32 $0x0  }
0xcd: {  	[bflag:$0x0] =	sbarrier.arrive $0xFFFF;
	v3 =	vadd.s32 s5, v0  }
0xce: {  	[tilespmem:$0x0] =	vst v3  }
0xcf: {  	[tilespmem:s4], [sflag:$0x1] =	stream.indirect.gather [hbm4b:s6+s30], $0x80, s3, s30, $0xb8;
	[tilespmem:$0x19080] =	vst v63  }
0xd0: {  	_ =	swait.ge [sflag:s0], $0x800  }
0xd1: {  	[sflag:s0] =	ssyncset.done $0x0  }
0xd2: {  	[sflag:s0] =	ssyncadd.s32 $0xFFFFF800  }
0xd3: {  	[spmem:s2] =	stream.indirect.scatter.add.f32 [tilespmem:s28], [sflag:$0x2], $0x80, s4, s31, $0xb8;
	[tilespmem:$0x19080] =	vst v63  }
0xd4: {  	_ =	swait.ge [sflag:s29], $0x4000  }
0xd5: {  	[sflag:s29] =	ssyncset.done $0x0  }
0xd6: {  	[sflag:s29] =	ssyncadd.s32 $0xFFFFC000  }
0xd7: {  	[spmem:s2] =	stream.indirect.scatter.add.f32 [tilespmem:s28], [sflag:$0x2], $0x80, s8, s31, $0xb8;
	[tilespmem:$0x19080] =	vst v63  }
0xd8: {  	_ =	swait.ge [sflag:s29], $0x4000  }
0xd9: {  	[sflag:s29] =	ssyncset.done $0x0  }
0xda: {  	[sflag:s29] =	ssyncadd.s32 $0xFFFFC000  }
0xdb: {  	[spmem:s2] =	stream.indirect.scatter.add.f32 [tilespmem:s28], [sflag:$0x2], $0x80, s10, s31, $0xb8;
	[tilespmem:$0x19080] =	vst v63  }
0xdc: {  	_ =	swait.ge [sflag:s29], $0x4000  }
0xdd: {  	[sflag:s29] =	ssyncset.done $0x0  }
0xde: {  	[sflag:s29] =	ssyncadd.s32 $0xFFFFC000  }
0xdf: {  	[spmem:s2] =	stream.indirect.scatter.add.f32 [tilespmem:s28], [sflag:$0x2], $0x80, s11, s31, $0xb8;
	[tilespmem:$0x19080] =	vst v63  }
0xe0: {  	_ =	swait.ge [sflag:s29], $0x4000  }
0xe1: {  	[sflag:s29] =	ssyncset.done $0x0  }
0xe2: {  	[sflag:s29] =	ssyncadd.s32 $0xFFFFC000  }
0xe3: {  	[spmem:s2] =	stream.indirect.scatter.add.f32 [tilespmem:s28], [sflag:$0x2], $0x80, s12, s31, $0xb8;
	[tilespmem:$0x19080] =	vst v63  }
0xe4: {  	_ =	swait.ge [sflag:s29], $0x4000  }
0xe5: {  	[sflag:s29] =	ssyncset.done $0x0  }
0xe6: {  	[sflag:s29] =	ssyncadd.s32 $0xFFFFC000  }
0xe7: {  	[spmem:s2] =	stream.indirect.scatter.add.f32 [tilespmem:s28], [sflag:$0x2], $0x80, s13, s31, $0xb8;
	[tilespmem:$0x19080] =	vst v63  }
0xe8: {  	_ =	swait.ge [sflag:s29], $0x4000  }
0xe9: {  	[sflag:s29] =	ssyncset.done $0x0  }
0xea: {  	[sflag:s29] =	ssyncadd.s32 $0xFFFFC000  }
0xeb: {  	[spmem:s2] =	stream.indirect.scatter.add.f32 [tilespmem:s28], [sflag:$0x2], $0x80, s14, s31, $0xb8;
	[tilespmem:$0x19080] =	vst v63  }
0xec: {  	_ =	swait.ge [sflag:s29], $0x4000  }
0xed: {  	[sflag:s29] =	ssyncset.done $0x0  }
0xee: {  	[sflag:s29] =	ssyncadd.s32 $0xFFFFC000  }
0xef: {  	[spmem:s2] =	stream.indirect.scatter.add.f32 [tilespmem:s28], [sflag:$0x2], $0x80, s15, s31, $0xb8;
	[tilespmem:$0x19080] =	vst v63  }
0xf0: {  	_ =	swait.ge [sflag:s29], $0x4000  }
0xf1: {  	[sflag:s29] =	ssyncset.done $0x0  }
0xf2: {  	[sflag:s29] =	ssyncadd.s32 $0xFFFFC000  }
0xf3: {  	[spmem:s2] =	stream.indirect.scatter.add.f32 [tilespmem:s28], [sflag:$0x2], $0x80, s16, s31, $0xb8;
	[tilespmem:$0x19080] =	vst v63  }
0xf4: {  	_ =	swait.ge [sflag:s29], $0x4000  }
0xf5: {  	[sflag:s29] =	ssyncset.done $0x0  }
0xf6: {  	[sflag:s29] =	ssyncadd.s32 $0xFFFFC000  }
0xf7: {  	[spmem:s2] =	stream.indirect.scatter.add.f32 [tilespmem:s28], [sflag:$0x2], $0x80, s17, s31, $0xb8;
	[tilespmem:$0x19080] =	vst v63  }
0xf8: {  	_ =	swait.ge [sflag:s29], $0x4000  }
0xf9: {  	[sflag:s29] =	ssyncset.done $0x0  }
0xfa: {  	[sflag:s29] =	ssyncadd.s32 $0xFFFFC000  }
0xfb: {  	[spmem:s2] =	stream.indirect.scatter.add.f32 [tilespmem:s28], [sflag:$0x2], $0x80, s18, s31, $0xb8;
	[tilespmem:$0x19080] =	vst v63  }
0xfc: {  	_ =	swait.ge [sflag:s29], $0x4000  }
0xfd: {  	[sflag:s29] =	ssyncset.done $0x0  }
0xfe: {  	[sflag:s29] =	ssyncadd.s32 $0xFFFFC000  }
0xff: {  	[spmem:s2] =	stream.indirect.scatter.add.f32 [tilespmem:s28], [sflag:$0x2], $0x80, s19, s31, $0xb8;
	[tilespmem:$0x19080] =	vst v63  }
0x100: {  	_ =	swait.ge [sflag:s29], $0x4000  }
0x101: {  	[sflag:s29] =	ssyncset.done $0x0  }
0x102: {  	[sflag:s29] =	ssyncadd.s32 $0xFFFFC000  }
0x103: {  	[spmem:s2] =	stream.indirect.scatter.add.f32 [tilespmem:s28], [sflag:$0x2], $0x80, s9, s31, $0xb8;
	[tilespmem:$0x19080] =	vst v63  }
0x104: {  	_ =	swait.ge [sflag:s29], $0x4000  }
0x105: {  	[sflag:s29] =	ssyncset.done $0x0  }
0x106: {  	[sflag:s29] =	ssyncadd.s32 $0xFFFFC000  }
0x107: {  	[spmem:s2] =	stream.indirect.scatter.add.f32 [tilespmem:s28], [sflag:$0x2], $0x80, s20, s31, $0xb8;
	[tilespmem:$0x19080] =	vst v63  }
0x108: {  	_ =	swait.ge [sflag:s29], $0x4000  }
0x109: {  	[sflag:s29] =	ssyncset.done $0x0  }
0x10a: {  	[sflag:s29] =	ssyncadd.s32 $0xFFFFC000  }
0x10b: {  	[spmem:s2] =	stream.indirect.scatter.add.f32 [tilespmem:s28], [sflag:$0x2], $0x80, s21, s31, $0xb8;
	[tilespmem:$0x19080] =	vst v63  }
0x10c: {  	_ =	swait.ge [sflag:s29], $0x4000  }
0x10d: {  	[sflag:s29] =	ssyncset.done $0x0  }
0x10e: {  	[sflag:s29] =	ssyncadd.s32 $0xFFFFC000  }
0x10f: {  	[spmem:s2] =	stream.indirect.scatter.add.f32 [tilespmem:s28], [sflag:$0x2], $0x80, s22, s31, $0xb8;
	[tilespmem:$0x19080] =	vst v63  }
0x110: {  	_ =	swait.ge [sflag:s29], $0x4000  }
0x111: {  	s24 =	simm.s32 $0x10;
	[sflag:s29] =	ssyncset.done $0x0  }
.LBB2_12:
0x112: {  	v3 =	vadd.s32 s24, v0;
	p0 =	sne.s32 s24, $0x40;
	s24 =	sadd.s32 $0x10, s24;
	[sflag:s29] =	ssyncadd.s32 $0xFFFFC000  }
0x113: {  	[tilespmem:$0x0] =	vst v3  }
0x114: {  	[tilespmem:s4], [sflag:$0x1] =	stream.indirect.gather [hbm4b:s6+s30], $0x80, s3, s30, $0xb8;
	[tilespmem:$0x19080] =	vst v63  }
0x115: {  	_ =	swait.ge [sflag:s0], $0x800  }
0x116: {  	[sflag:s0] =	ssyncset.done $0x0  }
0x117: {  	[sflag:s0] =	ssyncadd.s32 $0xFFFFF800  }
0x118: {  	[spmem:s2] =	stream.indirect.scatter.add.f32 [tilespmem:s28], [sflag:$0x2], $0x80, s4, s31, $0xb8;
	[tilespmem:$0x19080] =	vst v63  }
0x119: {  	_ =	swait.ge [sflag:s29], $0x4000  }
0x11a: {  	[sflag:s29] =	ssyncset.done $0x0  }
0x11b: {  	[sflag:s29] =	ssyncadd.s32 $0xFFFFC000  }
0x11c: {  	[spmem:s2] =	stream.indirect.scatter.add.f32 [tilespmem:s28], [sflag:$0x2], $0x80, s8, s31, $0xb8;
	[tilespmem:$0x19080] =	vst v63  }
0x11d: {  	_ =	swait.ge [sflag:s29], $0x4000  }
0x11e: {  	[sflag:s29] =	ssyncset.done $0x0  }
0x11f: {  	[sflag:s29] =	ssyncadd.s32 $0xFFFFC000  }
0x120: {  	[spmem:s2] =	stream.indirect.scatter.add.f32 [tilespmem:s28], [sflag:$0x2], $0x80, s10, s31, $0xb8;
	[tilespmem:$0x19080] =	vst v63  }
0x121: {  	_ =	swait.ge [sflag:s29], $0x4000  }
0x122: {  	[sflag:s29] =	ssyncset.done $0x0  }
0x123: {  	[sflag:s29] =	ssyncadd.s32 $0xFFFFC000  }
0x124: {  	[spmem:s2] =	stream.indirect.scatter.add.f32 [tilespmem:s28], [sflag:$0x2], $0x80, s11, s31, $0xb8;
	[tilespmem:$0x19080] =	vst v63  }
0x125: {  	_ =	swait.ge [sflag:s29], $0x4000  }
0x126: {  	[sflag:s29] =	ssyncset.done $0x0  }
0x127: {  	[sflag:s29] =	ssyncadd.s32 $0xFFFFC000  }
0x128: {  	[spmem:s2] =	stream.indirect.scatter.add.f32 [tilespmem:s28], [sflag:$0x2], $0x80, s12, s31, $0xb8;
	[tilespmem:$0x19080] =	vst v63  }
0x129: {  	_ =	swait.ge [sflag:s29], $0x4000  }
0x12a: {  	[sflag:s29] =	ssyncset.done $0x0  }
0x12b: {  	[sflag:s29] =	ssyncadd.s32 $0xFFFFC000  }
0x12c: {  	[spmem:s2] =	stream.indirect.scatter.add.f32 [tilespmem:s28], [sflag:$0x2], $0x80, s13, s31, $0xb8;
	[tilespmem:$0x19080] =	vst v63  }
0x12d: {  	_ =	swait.ge [sflag:s29], $0x4000  }
0x12e: {  	[sflag:s29] =	ssyncset.done $0x0  }
0x12f: {  	[sflag:s29] =	ssyncadd.s32 $0xFFFFC000  }
0x130: {  	[spmem:s2] =	stream.indirect.scatter.add.f32 [tilespmem:s28], [sflag:$0x2], $0x80, s14, s31, $0xb8;
	[tilespmem:$0x19080] =	vst v63  }
0x131: {  	_ =	swait.ge [sflag:s29], $0x4000  }
0x132: {  	[sflag:s29] =	ssyncset.done $0x0  }
0x133: {  	[sflag:s29] =	ssyncadd.s32 $0xFFFFC000  }
0x134: {  	[spmem:s2] =	stream.indirect.scatter.add.f32 [tilespmem:s28], [sflag:$0x2], $0x80, s15, s31, $0xb8;
	[tilespmem:$0x19080] =	vst v63  }
0x135: {  	_ =	swait.ge [sflag:s29], $0x4000  }
0x136: {  	[sflag:s29] =	ssyncset.done $0x0  }
0x137: {  	[sflag:s29] =	ssyncadd.s32 $0xFFFFC000  }
0x138: {  	[spmem:s2] =	stream.indirect.scatter.add.f32 [tilespmem:s28], [sflag:$0x2], $0x80, s16, s31, $0xb8;
	[tilespmem:$0x19080] =	vst v63  }
0x139: {  	_ =	swait.ge [sflag:s29], $0x4000  }
0x13a: {  	[sflag:s29] =	ssyncset.done $0x0  }
0x13b: {  	[sflag:s29] =	ssyncadd.s32 $0xFFFFC000  }
0x13c: {  	[spmem:s2] =	stream.indirect.scatter.add.f32 [tilespmem:s28], [sflag:$0x2], $0x80, s17, s31, $0xb8;
	[tilespmem:$0x19080] =	vst v63  }
0x13d: {  	_ =	swait.ge [sflag:s29], $0x4000  }
0x13e: {  	[sflag:s29] =	ssyncset.done $0x0  }
0x13f: {  	[sflag:s29] =	ssyncadd.s32 $0xFFFFC000  }
0x140: {  	[spmem:s2] =	stream.indirect.scatter.add.f32 [tilespmem:s28], [sflag:$0x2], $0x80, s18, s31, $0xb8;
	[tilespmem:$0x19080] =	vst v63  }
0x141: {  	_ =	swait.ge [sflag:s29], $0x4000  }
0x142: {  	[sflag:s29] =	ssyncset.done $0x0  }
0x143: {  	[sflag:s29] =	ssyncadd.s32 $0xFFFFC000  }
0x144: {  	[spmem:s2] =	stream.indirect.scatter.add.f32 [tilespmem:s28], [sflag:$0x2], $0x80, s19, s31, $0xb8;
	[tilespmem:$0x19080] =	vst v63  }
0x145: {  	_ =	swait.ge [sflag:s29], $0x4000  }
0x146: {  	[sflag:s29] =	ssyncset.done $0x0  }
0x147: {  	[sflag:s29] =	ssyncadd.s32 $0xFFFFC000  }
0x148: {  	[spmem:s2] =	stream.indirect.scatter.add.f32 [tilespmem:s28], [sflag:$0x2], $0x80, s9, s31, $0xb8;
	[tilespmem:$0x19080] =	vst v63  }
0x149: {  	_ =	swait.ge [sflag:s29], $0x4000  }
0x14a: {  	[sflag:s29] =	ssyncset.done $0x0  }
0x14b: {  	[sflag:s29] =	ssyncadd.s32 $0xFFFFC000  }
0x14c: {  	[spmem:s2] =	stream.indirect.scatter.add.f32 [tilespmem:s28], [sflag:$0x2], $0x80, s20, s31, $0xb8;
	[tilespmem:$0x19080] =	vst v63  }
0x14d: {  	_ =	swait.ge [sflag:s29], $0x4000  }
0x14e: {  	[sflag:s29] =	ssyncset.done $0x0  }
0x14f: {  	[sflag:s29] =	ssyncadd.s32 $0xFFFFC000  }
0x150: {  	[spmem:s2] =	stream.indirect.scatter.add.f32 [tilespmem:s28], [sflag:$0x2], $0x80, s21, s31, $0xb8;
	[tilespmem:$0x19080] =	vst v63  }
0x151: {  	_ =	swait.ge [sflag:s29], $0x4000  }
.Ltmp5:
0x152: {  	[sflag:s29] =	ssyncset.done $0x0;
	(pc) =	sbr.rel @p0 .LBB2_12-.Ltmp5, $4  }
0x153: {  	[sflag:s29] =	ssyncadd.s32 $0xFFFFC000  }
0x154: {  	[spmem:s2] =	stream.indirect.scatter.add.f32 [tilespmem:s28], [sflag:$0x2], $0x80, s22, s31, $0xb8;
	[tilespmem:$0x19080] =	vst v63  }
0x155: {  	_ =	swait.ge [sflag:s29], $0x4000  }
0x156: {  	[sflag:s29] =	ssyncset.done $0x0  }
0x157: {  	[sflag:s29] =	ssyncadd.s32 $0xFFFFC000  }
0x158: {  	[bflag:$0x0] =	sbarrier.arrive $0xFFFF  }
0x159: {  	[tilespmem:s28], [sflag:$0x2] =	stream.linear.gather [spmem:s23], $0x4000, $0x38;
	[tilespmem:$0x19080] =	vst v63  }
0x15a: {  	_ =	swait.ge [sflag:s29], $0x4000  }
0x15b: {  	[sflag:s29] =	ssyncset.done $0x0  }
0x15c: {  	s5 =	rddreg [dreg:$0xd];
	[sflag:s29] =	ssyncadd.s32 $0xFFFFC000  }
0x15d: {  	[hbm4b:s5+s3] =	stream.linear.scatter [tilespmem:s28], [sflag:$0x2], $0x4000, $0x38;
	[tilespmem:$0x19080] =	vst v63  }
0x15e: {  	_ =	swait.ge [sflag:s29], $0x4000  }
0x15f: {  	[sflag:s29] =	ssyncset.done $0x0  }
0x160: {  	s25 =	rddreg [dreg:$0x13];
	[sflag:s29] =	ssyncadd.s32 $0xFFFFC000  }
0x161: {  	[tilespmem:s28], [sflag:$0x2] =	stream.linear.gather [spmem:s25], $0x4000, $0x38;
	[tilespmem:$0x19080] =	vst v63  }
0x162: {  	_ =	swait.ge [sflag:s29], $0x4000  }
0x163: {  	[sflag:s29] =	ssyncset.done $0x0  }
0x164: {  	s24 =	rddreg [dreg:$0xe];
	[sflag:s29] =	ssyncadd.s32 $0xFFFFC000  }
0x165: {  	[hbm4b:s24+s3] =	stream.linear.scatter [tilespmem:s28], [sflag:$0x2], $0x4000, $0x38;
	[tilespmem:$0x19080] =	vst v63  }
0x166: {  	_ =	swait.ge [sflag:s29], $0x4000  }
0x167: {  	[sflag:s29] =	ssyncset.done $0x0  }
0x168: {  	s25 =	rddreg [dreg:$0x14];
	[sflag:s29] =	ssyncadd.s32 $0xFFFFC000  }
0x169: {  	[tilespmem:s28], [sflag:$0x2] =	stream.linear.gather [spmem:s25], $0x4000, $0x38;
	[tilespmem:$0x19080] =	vst v63  }
0x16a: {  	_ =	swait.ge [sflag:s29], $0x4000  }
0x16b: {  	[sflag:s29] =	ssyncset.done $0x0  }
0x16c: {  	s24 =	rddreg [dreg:$0xf];
	[sflag:s29] =	ssyncadd.s32 $0xFFFFC000  }
0x16d: {  	[hbm4b:s24+s3] =	stream.linear.scatter [tilespmem:s28], [sflag:$0x2], $0x4000, $0x38;
	[tilespmem:$0x19080] =	vst v63  }
0x16e: {  	_ =	swait.ge [sflag:s29], $0x4000  }
0x16f: {  	[sflag:s29] =	ssyncset.done $0x0  }
0x170: {  	s25 =	rddreg [dreg:$0x15];
	[sflag:s29] =	ssyncadd.s32 $0xFFFFC000  }
0x171: {  	[tilespmem:s28], [sflag:$0x2] =	stream.linear.gather [spmem:s25], $0x4000, $0x38;
	[tilespmem:$0x19080] =	vst v63  }
0x172: {  	_ =	swait.ge [sflag:s29], $0x4000  }
0x173: {  	[sflag:s29] =	ssyncset.done $0x0  }
0x174: {  	s24 =	rddreg [dreg:$0x10];
	[sflag:s29] =	ssyncadd.s32 $0xFFFFC000  }
0x175: {  	[hbm4b:s24+s3] =	stream.linear.scatter [tilespmem:s28], [sflag:$0x2], $0x4000, $0x38;
	[tilespmem:$0x19080] =	vst v63  }
0x176: {  	_ =	swait.ge [sflag:s29], $0x4000  }
0x177: {  	[sflag:s29] =	ssyncset.done $0x0  }
0x178: {  	s25 =	rddreg [dreg:$0x16];
	[sflag:s29] =	ssyncadd.s32 $0xFFFFC000  }
0x179: {  	[tilespmem:s28], [sflag:$0x2] =	stream.linear.gather [spmem:s25], $0x4000, $0x38;
	[tilespmem:$0x19080] =	vst v63  }
0x17a: {  	_ =	swait.ge [sflag:s29], $0x4000  }
0x17b: {  	[sflag:s29] =	ssyncset.done $0x0  }
0x17c: {  	s24 =	rddreg [dreg:$0x11];
	[sflag:s29] =	ssyncadd.s32 $0xFFFFC000  }
0x17d: {  	[hbm4b:s24+s3] =	stream.linear.scatter [tilespmem:s28], [sflag:$0x2], $0x4000, $0x38;
	[tilespmem:$0x19080] =	vst v63  }
0x17e: {  	_ =	swait.ge [sflag:s29], $0x4000  }
0x17f: {  	s24 =	rddreg [dreg:$0x19]  }
0x180: {  	s25 =	rddreg [dreg:$0x6];
	s24 =	sadd.s32 $0x1, s24  }
0x181: {  	p0 =	sne.s32 s24, s25  }
.Ltmp6:
0x182: {  	_ = 	snop;
	(pc) =	sbr.rel @p0 .LBB2_1-.Ltmp6, $3  }
0x183: {  	_ =	sdelay $0x1  }
0x184: {  	[sflag:s29] =	ssyncset.done $0x0  }
0x185: {  	[sflag:s29] =	ssyncadd.s32 $0xFFFFC000  }
0x186: {  	_ =	sfence.sel $0x180000  }
0x187: {  	[bflag:$0x0] =	sbarrier.arrive $0xFFFF  }
0x188: {  	_ =	strace $0x90000047  }
0x189: {  	s0 =	stileid.u32;
	[bflag:$0x2] =	sbarrier.arrive $0xFFFF  }
0x18a: {  	p0 =	sne.s32 s0, $0x0;
	s0 =	rddreg [dreg:$0x3]  }
0x18b: {  	s0 =	sadd.s32 @!p0 $0x100000, s0  }
0x18c: {  	[sflag:s0] =	ssyncadd.tile.s32 @!p0 $0x1;
	_ =	shalt  }
.Lfunc_end2:
_tile_overlayer_lowered:
.L_overlay_start_2:
0x18d: {  	(tag) =	ssettag $0x2  }
0x18e: {  	s0 =	rddreg [dreg:$0x0];
	s2 =	stileid.u32  }
0x18f: {  	s1 =	rddreg [dreg:$0x1];
	p0 =	sne.s32 s2, $0x0  }
0x190: {  	s3 =	rddreg [dreg:$0x2];
	[bflag:$0x3] =	sbarrier.arrive $0xFFFF;
	s2 =	simm.s32 @!p0 $0x1C02  }
0x191: {  	[timem:s3], [sflag:s2] =	dma.local @!p0 [hbm:s0], s1  }
0x192: {  	s0 =	simm.s32 @!p0 $0x2  }
0x193: {  	_ =	swait.ge @!p0 [sflag:s0], s1  }
0x194: {  	s1 =	ssub.s32 @!p0 $0x0, s1;
	[sflag:s0] =	ssyncset.done @!p0 $0x0  }
0x195: {  	[sflag:s0] =	ssyncadd.s32 @!p0 s1  }
0x196: {  	[bflag:$0x3] =	sbarrier.arrive $0xFFFF  }
0x197: {  	_ =	shalt  }

</sc_bundles>
